<compile_context>
chip_gen: v7x
topology: tpu7x:2x2x1
jax: 0.10.2.dev20260603
libtpu: 0.0.44.dev20260713+nightly
codegen_flags: <defaults>
</compile_context>

<pallas_src>
import functools

import jax
import jax.numpy as jnp
from jax import lax
from jax.experimental import pallas as pl
from jax.experimental.pallas import tpu as pltpu
from jax.experimental.pallas import tpu_sc as plsc

N = 100000
CIN = 16
COUT = 16
KVOL = 27

NW = 32
BN = 1024
NPAD = 102400
C_PER_W = NPAD // NW
CHUNK = 128
NCH = C_PER_W // CHUNK
ROWS128 = NPAD // CHUNK
ZERO_ROW = N


def _idx_body(kmap_ref, mask_ref, idx_ref):
    i = pl.program_id(0)
    n = i * C_PER_W + lax.broadcasted_iota(jnp.int32, (KVOL, C_PER_W), 1)
    valid = (mask_ref[...] != 0) & (n < N)
    v = jnp.where(valid, kmap_ref[...], ZERO_ROW)
    idx_ref[...] = v.reshape(1, KVOL, NCH, CHUNK)


def _build_idx(kmap32, mask32):
    return pl.pallas_call(
        _idx_body,
        grid=(NW,),
        in_specs=[
            pl.BlockSpec((KVOL, C_PER_W), lambda i: (0, i)),
            pl.BlockSpec((KVOL, C_PER_W), lambda i: (0, i)),
        ],
        out_specs=pl.BlockSpec((1, KVOL, NCH, CHUNK), lambda i: (i, 0, 0, 0)),
        out_shape=jax.ShapeDtypeStruct((NW, KVOL, NCH, CHUNK), jnp.int32),
    )(kmap32, mask32)


TOT = KVOL * NCH
RI = 8
RG = 6
DI = 4
DG = 3


def _sc_gather_body(feats_hbm, idx_hbm, g2_hbm, feats_sp, idxr, gbuf,
                    sem_i, sem_g, sem_w):
    info = plsc.get_sparse_core_info()
    nc = info.num_cores
    wid = lax.axis_index("s") * nc + lax.axis_index("c")
    base = wid * C_PER_W

    @pl.when(lax.axis_index("s") == 0)
    def _():
        pltpu.sync_copy(feats_hbm, feats_sp)

    def fire_idx(t):
        k = t // NCH
        c = t % NCH
        pltpu.async_copy(idx_hbm.at[wid, k, c], idxr.at[t % RI], sem_i)

    def drain_idx(t):
        pltpu.make_async_copy(
            idx_hbm.at[0, 0, 0], idxr.at[t % RI], sem_i
        ).wait()

    def fire_gather(t):
        pltpu.async_copy(
            feats_sp.at[idxr.at[t % RI]], gbuf.at[t % RG], sem_g
        )

    def drain_gather(t):
        pltpu.make_async_copy(
            feats_hbm.at[pl.ds(0, CHUNK)], gbuf.at[t % RG], sem_g
        ).wait()

    def fire_writeout(t):
        k = t // NCH
        c = t % NCH
        pltpu.async_copy(
            gbuf.at[t % RG],
            g2_hbm.at[pl.ds(base + c * CHUNK, CHUNK), pl.ds(k * CIN, CIN)],
            sem_w,
        )

    def drain_writeout():
        pltpu.make_async_copy(
            gbuf.at[0], g2_hbm.at[pl.ds(base, CHUNK), pl.ds(0, CIN)], sem_w
        ).wait()

    for t in range(DG + DI):
        fire_idx(t)
    plsc.subcore_barrier()
    for t in range(DG):
        drain_idx(t)
        fire_gather(t)

    def body(t, _):
        drain_gather(t)
        fire_writeout(t)
        tg = t + DG

        @pl.when(tg < TOT)
        def _():
            @pl.when(tg >= RG)
            def _():
                drain_writeout()

            drain_idx(tg)
            fire_gather(tg)
            ti = tg + DI

            @pl.when(ti < TOT)
            def _():
                fire_idx(ti)

        return 0

    lax.fori_loop(0, TOT, body, 0)

    def ebody(i, _):
        drain_writeout()
        return 0

    lax.fori_loop(0, min(RG, TOT), ebody, 0)


def _sc_gather(feats_pad, idx3):
    mesh = plsc.VectorSubcoreMesh(core_axis_name="c", subcore_axis_name="s")
    fn = functools.partial(
        pl.kernel,
        mesh=mesh,
        out_type=jax.ShapeDtypeStruct((NPAD, KVOL * CIN), jnp.float32),
        scratch_types=[
            pltpu.VMEM_SHARED((N + 8, CIN), jnp.float32),
            pltpu.VMEM((RI, CHUNK), jnp.int32),
            pltpu.VMEM((RG, CHUNK, CIN), jnp.float32),
            pltpu.SemaphoreType.DMA,
            pltpu.SemaphoreType.DMA,
            pltpu.SemaphoreType.DMA,
        ],
        compiler_params=pltpu.CompilerParams(use_tc_tiling_on_sc=False),
    )(_sc_gather_body)
    return fn(feats_pad, idx3)


BM = 2048


def _mm_body(g_ref, w_ref, b_ref, o_ref):
    o_ref[...] = (
        jnp.dot(g_ref[...], w_ref[...], preferred_element_type=jnp.float32)
        + b_ref[...]
    )


def _matmul(g2, wflat, bias2):
    return pl.pallas_call(
        _mm_body,
        grid=(NPAD // BM,),
        in_specs=[
            pl.BlockSpec((BM, KVOL * CIN), lambda i: (i, 0)),
            pl.BlockSpec((KVOL * CIN, COUT), lambda i: (0, 0)),
            pl.BlockSpec((1, COUT), lambda i: (0, 0)),
        ],
        out_specs=pl.BlockSpec((BM, COUT), lambda i: (i, 0)),
        out_shape=jax.ShapeDtypeStruct((NPAD, COUT), jnp.float32),
        compiler_params=pltpu.CompilerParams(
            dimension_semantics=("arbitrary",),
        ),
    )(g2, wflat, bias2)


def kernel(feats, kmap, mask, weight, bias):
    kmap32 = kmap.astype(jnp.int32)
    mask32 = mask.astype(jnp.int32)
    feats_pad = jnp.concatenate(
        [feats, jnp.zeros((8, CIN), dtype=feats.dtype)], axis=0
    )
    idx3 = _build_idx(kmap32, mask32)
    g2 = _sc_gather(feats_pad, idx3)
    wflat = weight.reshape(KVOL * CIN, COUT)
    out_full = _matmul(g2, wflat, bias.reshape(1, COUT))
    return out_full[:N]

# --- scband reference (transcript-rebuilt; emitter-appended) ---
"""Pipeline reference for scband-sparse-conv3-dbase-17317308137881 (READ-ONLY COPY).

The authoritative reference and input builder live on the scoring server;
editing this copy changes nothing except your own understanding.
"""

import jax, jax.numpy as jnp
import numpy as np
import math

N = 100000
CIN = 16
COUT = 16
KVOL = 27  # 3x3x3 kernel


def setup_inputs(seed: int = 0) -> dict:
    key = jax.random.key(seed)
    k1, k2, k3, k4, k5 = jax.random.split(key, 5)
    feats = jax.random.normal(k1, (N, CIN), dtype=jnp.float32)
    # kernel map: for each kernel offset k and output voxel i, index of the
    # input voxel contributing at that offset (submanifold: out coords == in coords)
    kmap = jax.random.randint(k2, (KVOL, N), 0, N, dtype=jnp.int64)
    # validity mask: whether the neighbor at that offset exists in the sparse grid
    mask = jax.random.randint(k3, (KVOL, N), 0, 2).astype(bool)
    stdv = 1.0 / math.sqrt(CIN * KVOL)
    weight = jax.random.uniform(k4, (KVOL, CIN, COUT), minval=-stdv, maxval=stdv, dtype=jnp.float32)
    bias = jax.random.uniform(k5, (COUT,), minval=-stdv, maxval=stdv, dtype=jnp.float32)
    return {"feats": feats, "kmap": kmap, "mask": mask, "weight": weight, "bias": bias}


def reference(feats, kmap, mask, weight, bias):
    # Submanifold sparse 3D conv as gather -> per-offset matmul -> accumulate.
    # out[i] = bias + sum_k mask[k,i] * feats[kmap[k,i]] @ weight[k]
    gathered = jnp.take(feats, kmap, axis=0)            # [KVOL, N, CIN]
    gathered = gathered * mask[..., None].astype(feats.dtype)
    out = jnp.einsum('kni,kio->no', gathered, weight)   # [N, COUT]
    out = out + bias
    return out

if __name__ == "__main__":
    import jax
    _d = setup_inputs()
    print(jax.jit(kernel)(*tuple(_d.values())))

</pallas_src>

<mosaic_0001>
#map = affine_map<(d0, d1) -> (0, 0)>
#map1 = affine_map<(d0, d1) -> (0, 0, 0, 0)>
module attributes {stable_mosaic.version = 14 : i64} {
  func.func @_sc_gather_body(%arg0: i32, %arg1: i32, %arg2: memref<100008x16xf32, #tpu.memory_space<hbm>>, %arg3: memref<32x27x25x128xi32, #tpu.memory_space<hbm>>, %arg4: memref<102400x432xf32, #tpu.memory_space<hbm>>, %arg5: memref<100008x16xf32, #tpu.memory_space<vmem_shared>>, %arg6: memref<8x128xi32, #tpu.memory_space<vmem>>, %arg7: memref<6x128x16xf32, #tpu.memory_space<vmem>>, %arg8: memref<!tpu.dma_semaphore, #tpu.memory_space<semaphore_mem>>, %arg9: memref<!tpu.dma_semaphore, #tpu.memory_space<semaphore_mem>>, %arg10: memref<!tpu.dma_semaphore, #tpu.memory_space<semaphore_mem>>) attributes {dimension_semantics = [#tpu.dimension_semantics<core_parallel>, #tpu.dimension_semantics<subcore_parallel>], iteration_bounds = array<i64: 2, 16>, scalar_prefetch = 0 : i64, scratch_operands = 6 : i64, tpu.core_type = #tpu.core_type<sc_vector_subcore>, window_params = [{transform_indices = #map}, {transform_indices = #map1}, {transform_indices = #map}]} {
    %mul3A = arith.constant 2 : i32
    %mul3A_0 = arith.muli %arg1, %mul3A : i32
    %add3A = arith.addi %mul3A_0, %arg0 : i32
    %mul3A_1 = arith.constant 3200 : i32
    %mul3A_2 = arith.muli %add3A, %mul3A_1 : i32
    %eq3A = arith.constant 0 : i32
    %eq3A_3 = arith.cmpi eq, %arg1, %eq3A : i32
    %convert_element_type3A = arith.extui %eq3A_3 : i1 to i32
    %cond3A = arith.constant 0 : i32
    %cond3A_4 = arith.cmpi ne, %convert_element_type3A, %cond3A : i32
    scf.if %cond3A_4 {
      "tpu.region"() ({
        %run_scoped3A = tpu.sem_alloc : memref<!tpu.dma_semaphore, #tpu.memory_space<semaphore_mem>>
        tpu.enqueue_dma source(%arg2 : memref<100008x16xf32, #tpu.memory_space<hbm>>) target(%arg5 : memref<100008x16xf32, #tpu.memory_space<vmem_shared>>) target_semaphore(%run_scoped3A : memref<!tpu.dma_semaphore, #tpu.memory_space<semaphore_mem>>)
        tpu.wait_dma2 semaphore(%run_scoped3A : memref<!tpu.dma_semaphore, #tpu.memory_space<semaphore_mem>>) src(%arg2 : memref<100008x16xf32, #tpu.memory_space<hbm>>) dst(%arg5 : memref<100008x16xf32, #tpu.memory_space<vmem_shared>>)
        tpu.yield
      }) : () -> ()
    } else {
    }
    %dma_start3A = arith.constant 0 : i32
    %dma_start3A_5 = arith.constant 0 : i32
    %dma_start3A_6 = arith.constant 0 : i32
    %dma_start3A_7 = arith.constant 0 : i32
    %dma_start3A_8 = tpu.memref_slice %arg6[%dma_start3A_6, %dma_start3A_7] : memref<8x128xi32, #tpu.memory_space<vmem>> -> memref<1x128xi32, #tpu.memory_space<vmem>>
    %dma_start3A_9 = tpu.memref_squeeze %dma_start3A_8 : memref<1x128xi32, #tpu.memory_space<vmem>> -> memref<128xi32, #tpu.memory_space<vmem>>
    %dma_start3A_10 = arith.constant 0 : i32
    %dma_start3A_11 = tpu.memref_slice %arg3[%add3A, %dma_start3A, %dma_start3A_5, %dma_start3A_10] : memref<32x27x25x128xi32, #tpu.memory_space<hbm>> -> memref<1x1x1x128xi32, #tpu.memory_space<hbm>>
    %dma_start3A_12 = tpu.memref_squeeze %dma_start3A_11 : memref<1x1x1x128xi32, #tpu.memory_space<hbm>> -> memref<128xi32, #tpu.memory_space<hbm>>
    %dma_start3A_13 = arith.constant 0 : i32
    %dma_start3A_14 = tpu.memref_slice %arg6[%dma_start3A_6, %dma_start3A_13] : memref<8x128xi32, #tpu.memory_space<vmem>> -> memref<1x128xi32, #tpu.memory_space<vmem>>
    %dma_start3A_15 = tpu.memref_squeeze %dma_start3A_14 : memref<1x128xi32, #tpu.memory_space<vmem>> -> memref<128xi32, #tpu.memory_space<vmem>>
    %dma_start3A_16 = arith.constant 0 : i32
    %dma_start3A_17 = tpu.memref_slice %arg3[%add3A, %dma_start3A, %dma_start3A_5, %dma_start3A_16] : memref<32x27x25x128xi32, #tpu.memory_space<hbm>> -> memref<1x1x1x128xi32, #tpu.memory_space<hbm>>
    %dma_start3A_18 = tpu.memref_squeeze %dma_start3A_17 : memref<1x1x1x128xi32, #tpu.memory_space<hbm>> -> memref<128xi32, #tpu.memory_space<hbm>>
    tpu.enqueue_dma source(%dma_start3A_18 : memref<128xi32, #tpu.memory_space<hbm>>) target(%dma_start3A_15 : memref<128xi32, #tpu.memory_space<vmem>>) target_semaphore(%arg8 : memref<!tpu.dma_semaphore, #tpu.memory_space<semaphore_mem>>)
    %dma_start3A_19 = arith.constant 0 : i32
    %dma_start3A_20 = arith.constant 1 : i32
    %dma_start3A_21 = arith.constant 1 : i32
    %dma_start3A_22 = arith.constant 0 : i32
    %dma_start3A_23 = tpu.memref_slice %arg6[%dma_start3A_21, %dma_start3A_22] : memref<8x128xi32, #tpu.memory_space<vmem>> -> memref<1x128xi32, #tpu.memory_space<vmem>>
    %dma_start3A_24 = tpu.memref_squeeze %dma_start3A_23 : memref<1x128xi32, #tpu.memory_space<vmem>> -> memref<128xi32, #tpu.memory_space<vmem>>
    %dma_start3A_25 = arith.constant 0 : i32
    %dma_start3A_26 = tpu.memref_slice %arg3[%add3A, %dma_start3A_19, %dma_start3A_20, %dma_start3A_25] : memref<32x27x25x128xi32, #tpu.memory_space<hbm>> -> memref<1x1x1x128xi32, #tpu.memory_space<hbm>>
    %dma_start3A_27 = tpu.memref_squeeze %dma_start3A_26 : memref<1x1x1x128xi32, #tpu.memory_space<hbm>> -> memref<128xi32, #tpu.memory_space<hbm>>
    %dma_start3A_28 = arith.constant 0 : i32
    %dma_start3A_29 = tpu.memref_slice %arg6[%dma_start3A_21, %dma_start3A_28] : memref<8x128xi32, #tpu.memory_space<vmem>> -> memref<1x128xi32, #tpu.memory_space<vmem>>
    %dma_start3A_30 = tpu.memref_squeeze %dma_start3A_29 : memref<1x128xi32, #tpu.memory_space<vmem>> -> memref<128xi32, #tpu.memory_space<vmem>>
    %dma_start3A_31 = arith.constant 0 : i32
    %dma_start3A_32 = tpu.memref_slice %arg3[%add3A, %dma_start3A_19, %dma_start3A_20, %dma_start3A_31] : memref<32x27x25x128xi32, #tpu.memory_space<hbm>> -> memref<1x1x1x128xi32, #tpu.memory_space<hbm>>
    %dma_start3A_33 = tpu.memref_squeeze %dma_start3A_32 : memref<1x1x1x128xi32, #tpu.memory_space<hbm>> -> memref<128xi32, #tpu.memory_space<hbm>>
    tpu.enqueue_dma source(%dma_start3A_33 : memref<128xi32, #tpu.memory_space<hbm>>) target(%dma_start3A_30 : memref<128xi32, #tpu.memory_space<vmem>>) target_semaphore(%arg8 : memref<!tpu.dma_semaphore, #tpu.memory_space<semaphore_mem>>)
    %dma_start3A_34 = arith.constant 0 : i32
    %dma_start3A_35 = arith.constant 2 : i32
    %dma_start3A_36 = arith.constant 2 : i32
    %dma_start3A_37 = arith.constant 0 : i32
    %dma_start3A_38 = tpu.memref_slice %arg6[%dma_start3A_36, %dma_start3A_37] : memref<8x128xi32, #tpu.memory_space<vmem>> -> memref<1x128xi32, #tpu.memory_space<vmem>>
    %dma_start3A_39 = tpu.memref_squeeze %dma_start3A_38 : memref<1x128xi32, #tpu.memory_space<vmem>> -> memref<128xi32, #tpu.memory_space<vmem>>
    %dma_start3A_40 = arith.constant 0 : i32
    %dma_start3A_41 = tpu.memref_slice %arg3[%add3A, %dma_start3A_34, %dma_start3A_35, %dma_start3A_40] : memref<32x27x25x128xi32, #tpu.memory_space<hbm>> -> memref<1x1x1x128xi32, #tpu.memory_space<hbm>>
    %dma_start3A_42 = tpu.memref_squeeze %dma_start3A_41 : memref<1x1x1x128xi32, #tpu.memory_space<hbm>> -> memref<128xi32, #tpu.memory_space<hbm>>
    %dma_start3A_43 = arith.constant 0 : i32
    %dma_start3A_44 = tpu.memref_slice %arg6[%dma_start3A_36, %dma_start3A_43] : memref<8x128xi32, #tpu.memory_space<vmem>> -> memref<1x128xi32, #tpu.memory_space<vmem>>
    %dma_start3A_45 = tpu.memref_squeeze %dma_start3A_44 : memref<1x128xi32, #tpu.memory_space<vmem>> -> memref<128xi32, #tpu.memory_space<vmem>>
    %dma_start3A_46 = arith.constant 0 : i32
    %dma_start3A_47 = tpu.memref_slice %arg3[%add3A, %dma_start3A_34, %dma_start3A_35, %dma_start3A_46] : memref<32x27x25x128xi32, #tpu.memory_space<hbm>> -> memref<1x1x1x128xi32, #tpu.memory_space<hbm>>
    %dma_start3A_48 = tpu.memref_squeeze %dma_start3A_47 : memref<1x1x1x128xi32, #tpu.memory_space<hbm>> -> memref<128xi32, #tpu.memory_space<hbm>>
    tpu.enqueue_dma source(%dma_start3A_48 : memref<128xi32, #tpu.memory_space<hbm>>) target(%dma_start3A_45 : memref<128xi32, #tpu.memory_space<vmem>>) target_semaphore(%arg8 : memref<!tpu.dma_semaphore, #tpu.memory_space<semaphore_mem>>)
    %dma_start3A_49 = arith.constant 0 : i32
    %dma_start3A_50 = arith.constant 3 : i32
    %dma_start3A_51 = arith.constant 3 : i32
    %dma_start3A_52 = arith.constant 0 : i32
    %dma_start3A_53 = tpu.memref_slice %arg6[%dma_start3A_51, %dma_start3A_52] : memref<8x128xi32, #tpu.memory_space<vmem>> -> memref<1x128xi32, #tpu.memory_space<vmem>>
    %dma_start3A_54 = tpu.memref_squeeze %dma_start3A_53 : memref<1x128xi32, #tpu.memory_space<vmem>> -> memref<128xi32, #tpu.memory_space<vmem>>
    %dma_start3A_55 = arith.constant 0 : i32
    %dma_start3A_56 = tpu.memref_slice %arg3[%add3A, %dma_start3A_49, %dma_start3A_50, %dma_start3A_55] : memref<32x27x25x128xi32, #tpu.memory_space<hbm>> -> memref<1x1x1x128xi32, #tpu.memory_space<hbm>>
    %dma_start3A_57 = tpu.memref_squeeze %dma_start3A_56 : memref<1x1x1x128xi32, #tpu.memory_space<hbm>> -> memref<128xi32, #tpu.memory_space<hbm>>
    %dma_start3A_58 = arith.constant 0 : i32
    %dma_start3A_59 = tpu.memref_slice %arg6[%dma_start3A_51, %dma_start3A_58] : memref<8x128xi32, #tpu.memory_space<vmem>> -> memref<1x128xi32, #tpu.memory_space<vmem>>
    %dma_start3A_60 = tpu.memref_squeeze %dma_start3A_59 : memref<1x128xi32, #tpu.memory_space<vmem>> -> memref<128xi32, #tpu.memory_space<vmem>>
    %dma_start3A_61 = arith.constant 0 : i32
    %dma_start3A_62 = tpu.memref_slice %arg3[%add3A, %dma_start3A_49, %dma_start3A_50, %dma_start3A_61] : memref<32x27x25x128xi32, #tpu.memory_space<hbm>> -> memref<1x1x1x128xi32, #tpu.memory_space<hbm>>
    %dma_start3A_63 = tpu.memref_squeeze %dma_start3A_62 : memref<1x1x1x128xi32, #tpu.memory_space<hbm>> -> memref<128xi32, #tpu.memory_space<hbm>>
    tpu.enqueue_dma source(%dma_start3A_63 : memref<128xi32, #tpu.memory_space<hbm>>) target(%dma_start3A_60 : memref<128xi32, #tpu.memory_space<vmem>>) target_semaphore(%arg8 : memref<!tpu.dma_semaphore, #tpu.memory_space<semaphore_mem>>)
    %dma_start3A_64 = arith.constant 0 : i32
    %dma_start3A_65 = arith.constant 4 : i32
    %dma_start3A_66 = arith.constant 4 : i32
    %dma_start3A_67 = arith.constant 0 : i32
    %dma_start3A_68 = tpu.memref_slice %arg6[%dma_start3A_66, %dma_start3A_67] : memref<8x128xi32, #tpu.memory_space<vmem>> -> memref<1x128xi32, #tpu.memory_space<vmem>>
    %dma_start3A_69 = tpu.memref_squeeze %dma_start3A_68 : memref<1x128xi32, #tpu.memory_space<vmem>> -> memref<128xi32, #tpu.memory_space<vmem>>
    %dma_start3A_70 = arith.constant 0 : i32
    %dma_start3A_71 = tpu.memref_slice %arg3[%add3A, %dma_start3A_64, %dma_start3A_65, %dma_start3A_70] : memref<32x27x25x128xi32, #tpu.memory_space<hbm>> -> memref<1x1x1x128xi32, #tpu.memory_space<hbm>>
    %dma_start3A_72 = tpu.memref_squeeze %dma_start3A_71 : memref<1x1x1x128xi32, #tpu.memory_space<hbm>> -> memref<128xi32, #tpu.memory_space<hbm>>
    %dma_start3A_73 = arith.constant 0 : i32
    %dma_start3A_74 = tpu.memref_slice %arg6[%dma_start3A_66, %dma_start3A_73] : memref<8x128xi32, #tpu.memory_space<vmem>> -> memref<1x128xi32, #tpu.memory_space<vmem>>
    %dma_start3A_75 = tpu.memref_squeeze %dma_start3A_74 : memref<1x128xi32, #tpu.memory_space<vmem>> -> memref<128xi32, #tpu.memory_space<vmem>>
    %dma_start3A_76 = arith.constant 0 : i32
    %dma_start3A_77 = tpu.memref_slice %arg3[%add3A, %dma_start3A_64, %dma_start3A_65, %dma_start3A_76] : memref<32x27x25x128xi32, #tpu.memory_space<hbm>> -> memref<1x1x1x128xi32, #tpu.memory_space<hbm>>
    %dma_start3A_78 = tpu.memref_squeeze %dma_start3A_77 : memref<1x1x1x128xi32, #tpu.memory_space<hbm>> -> memref<128xi32, #tpu.memory_space<hbm>>
    tpu.enqueue_dma source(%dma_start3A_78 : memref<128xi32, #tpu.memory_space<hbm>>) target(%dma_start3A_75 : memref<128xi32, #tpu.memory_space<vmem>>) target_semaphore(%arg8 : memref<!tpu.dma_semaphore, #tpu.memory_space<semaphore_mem>>)
    %dma_start3A_79 = arith.constant 0 : i32
    %dma_start3A_80 = arith.constant 5 : i32
    %dma_start3A_81 = arith.constant 5 : i32
    %dma_start3A_82 = arith.constant 0 : i32
    %dma_start3A_83 = tpu.memref_slice %arg6[%dma_start3A_81, %dma_start3A_82] : memref<8x128xi32, #tpu.memory_space<vmem>> -> memref<1x128xi32, #tpu.memory_space<vmem>>
    %dma_start3A_84 = tpu.memref_squeeze %dma_start3A_83 : memref<1x128xi32, #tpu.memory_space<vmem>> -> memref<128xi32, #tpu.memory_space<vmem>>
    %dma_start3A_85 = arith.constant 0 : i32
    %dma_start3A_86 = tpu.memref_slice %arg3[%add3A, %dma_start3A_79, %dma_start3A_80, %dma_start3A_85] : memref<32x27x25x128xi32, #tpu.memory_space<hbm>> -> memref<1x1x1x128xi32, #tpu.memory_space<hbm>>
    %dma_start3A_87 = tpu.memref_squeeze %dma_start3A_86 : memref<1x1x1x128xi32, #tpu.memory_space<hbm>> -> memref<128xi32, #tpu.memory_space<hbm>>
    %dma_start3A_88 = arith.constant 0 : i32
    %dma_start3A_89 = tpu.memref_slice %arg6[%dma_start3A_81, %dma_start3A_88] : memref<8x128xi32, #tpu.memory_space<vmem>> -> memref<1x128xi32, #tpu.memory_space<vmem>>
    %dma_start3A_90 = tpu.memref_squeeze %dma_start3A_89 : memref<1x128xi32, #tpu.memory_space<vmem>> -> memref<128xi32, #tpu.memory_space<vmem>>
    %dma_start3A_91 = arith.constant 0 : i32
    %dma_start3A_92 = tpu.memref_slice %arg3[%add3A, %dma_start3A_79, %dma_start3A_80, %dma_start3A_91] : memref<32x27x25x128xi32, #tpu.memory_space<hbm>> -> memref<1x1x1x128xi32, #tpu.memory_space<hbm>>
    %dma_start3A_93 = tpu.memref_squeeze %dma_start3A_92 : memref<1x1x1x128xi32, #tpu.memory_space<hbm>> -> memref<128xi32, #tpu.memory_space<hbm>>
    tpu.enqueue_dma source(%dma_start3A_93 : memref<128xi32, #tpu.memory_space<hbm>>) target(%dma_start3A_90 : memref<128xi32, #tpu.memory_space<vmem>>) target_semaphore(%arg8 : memref<!tpu.dma_semaphore, #tpu.memory_space<semaphore_mem>>)
    %dma_start3A_94 = arith.constant 0 : i32
    %dma_start3A_95 = arith.constant 6 : i32
    %dma_start3A_96 = arith.constant 6 : i32
    %dma_start3A_97 = arith.constant 0 : i32
    %dma_start3A_98 = tpu.memref_slice %arg6[%dma_start3A_96, %dma_start3A_97] : memref<8x128xi32, #tpu.memory_space<vmem>> -> memref<1x128xi32, #tpu.memory_space<vmem>>
    %dma_start3A_99 = tpu.memref_squeeze %dma_start3A_98 : memref<1x128xi32, #tpu.memory_space<vmem>> -> memref<128xi32, #tpu.memory_space<vmem>>
    %dma_start3A_100 = arith.constant 0 : i32
    %dma_start3A_101 = tpu.memref_slice %arg3[%add3A, %dma_start3A_94, %dma_start3A_95, %dma_start3A_100] : memref<32x27x25x128xi32, #tpu.memory_space<hbm>> -> memref<1x1x1x128xi32, #tpu.memory_space<hbm>>
    %dma_start3A_102 = tpu.memref_squeeze %dma_start3A_101 : memref<1x1x1x128xi32, #tpu.memory_space<hbm>> -> memref<128xi32, #tpu.memory_space<hbm>>
    %dma_start3A_103 = arith.constant 0 : i32
    %dma_start3A_104 = tpu.memref_slice %arg6[%dma_start3A_96, %dma_start3A_103] : memref<8x128xi32, #tpu.memory_space<vmem>> -> memref<1x128xi32, #tpu.memory_space<vmem>>
    %dma_start3A_105 = tpu.memref_squeeze %dma_start3A_104 : memref<1x128xi32, #tpu.memory_space<vmem>> -> memref<128xi32, #tpu.memory_space<vmem>>
    %dma_start3A_106 = arith.constant 0 : i32
    %dma_start3A_107 = tpu.memref_slice %arg3[%add3A, %dma_start3A_94, %dma_start3A_95, %dma_start3A_106] : memref<32x27x25x128xi32, #tpu.memory_space<hbm>> -> memref<1x1x1x128xi32, #tpu.memory_space<hbm>>
    %dma_start3A_108 = tpu.memref_squeeze %dma_start3A_107 : memref<1x1x1x128xi32, #tpu.memory_space<hbm>> -> memref<128xi32, #tpu.memory_space<hbm>>
    tpu.enqueue_dma source(%dma_start3A_108 : memref<128xi32, #tpu.memory_space<hbm>>) target(%dma_start3A_105 : memref<128xi32, #tpu.memory_space<vmem>>) target_semaphore(%arg8 : memref<!tpu.dma_semaphore, #tpu.memory_space<semaphore_mem>>)
    %barrier3A = arith.constant 0 : index
    tpu.barrier barrier_id(%barrier3A)
    %dma_wait3A = arith.constant 0 : i32
    %dma_wait3A_109 = arith.constant 0 : i32
    %dma_wait3A_110 = arith.constant 0 : i32
    %dma_wait3A_111 = arith.constant 0 : i32
    %dma_wait3A_112 = arith.constant 0 : i32
    %dma_wait3A_113 = tpu.memref_slice %arg6[%dma_wait3A_111, %dma_wait3A_112] : memref<8x128xi32, #tpu.memory_space<vmem>> -> memref<1x128xi32, #tpu.memory_space<vmem>>
    %dma_wait3A_114 = tpu.memref_squeeze %dma_wait3A_113 : memref<1x128xi32, #tpu.memory_space<vmem>> -> memref<128xi32, #tpu.memory_space<vmem>>
    %dma_wait3A_115 = arith.constant 0 : i32
    %dma_wait3A_116 = tpu.memref_slice %arg3[%dma_wait3A, %dma_wait3A_109, %dma_wait3A_110, %dma_wait3A_115] : memref<32x27x25x128xi32, #tpu.memory_space<hbm>> -> memref<1x1x1x128xi32, #tpu.memory_space<hbm>>
    %dma_wait3A_117 = tpu.memref_squeeze %dma_wait3A_116 : memref<1x1x1x128xi32, #tpu.memory_space<hbm>> -> memref<128xi32, #tpu.memory_space<hbm>>
    %dma_wait3A_118 = arith.constant 0 : i32
    %dma_wait3A_119 = tpu.memref_slice %arg6[%dma_wait3A_111, %dma_wait3A_118] : memref<8x128xi32, #tpu.memory_space<vmem>> -> memref<1x128xi32, #tpu.memory_space<vmem>>
    %dma_wait3A_120 = tpu.memref_squeeze %dma_wait3A_119 : memref<1x128xi32, #tpu.memory_space<vmem>> -> memref<128xi32, #tpu.memory_space<vmem>>
    %dma_wait3A_121 = arith.constant 0 : i32
    %dma_wait3A_122 = tpu.memref_slice %arg3[%dma_wait3A, %dma_wait3A_109, %dma_wait3A_110, %dma_wait3A_121] : memref<32x27x25x128xi32, #tpu.memory_space<hbm>> -> memref<1x1x1x128xi32, #tpu.memory_space<hbm>>
    %dma_wait3A_123 = tpu.memref_squeeze %dma_wait3A_122 : memref<1x1x1x128xi32, #tpu.memory_space<hbm>> -> memref<128xi32, #tpu.memory_space<hbm>>
    tpu.wait_dma2 semaphore(%arg8 : memref<!tpu.dma_semaphore, #tpu.memory_space<semaphore_mem>>) src(%dma_wait3A_123 : memref<128xi32, #tpu.memory_space<hbm>>) dst(%dma_wait3A_120 : memref<128xi32, #tpu.memory_space<vmem>>)
    %dma_start3A_124 = arith.constant 0 : i32
    %dma_start3A_125 = arith.constant 0 : i32
    %dma_start3A_126 = arith.constant 0 : i32
    %dma_start3A_127 = arith.constant 0 : i32
    %dma_start3A_128 = tpu.memref_slice %arg7[%dma_start3A_125, %dma_start3A_126, %dma_start3A_127] : memref<6x128x16xf32, #tpu.memory_space<vmem>> -> memref<1x128x16xf32, #tpu.memory_space<vmem>>
    %dma_start3A_129 = tpu.memref_squeeze %dma_start3A_128 : memref<1x128x16xf32, #tpu.memory_space<vmem>> -> memref<128x16xf32, #tpu.memory_space<vmem>>
    %dma_start3A_130 = arith.constant 0 : i32
    %dma_start3A_131 = tpu.memref_slice %arg6[%dma_start3A_124, %dma_start3A_130] : memref<8x128xi32, #tpu.memory_space<vmem>> -> memref<1x128xi32, #tpu.memory_space<vmem>>
    %dma_start3A_132 = tpu.memref_squeeze %dma_start3A_131 : memref<1x128xi32, #tpu.memory_space<vmem>> -> memref<128xi32, #tpu.memory_space<vmem>>
    %dma_start3A_133 = arith.constant 0 : i32
    %dma_start3A_134 = arith.constant 0 : i32
    %dma_start3A_135 = tpu.memref_slice %arg5[%dma_start3A_133, %dma_start3A_134] : memref<100008x16xf32, #tpu.memory_space<vmem_shared>> -> memref<100008x16xf32, #tpu.memory_space<vmem_shared>>
    tpu.enqueue_indirect_dma source(%dma_start3A_135 : memref<100008x16xf32, #tpu.memory_space<vmem_shared>>) target(%dma_start3A_129 : memref<128x16xf32, #tpu.memory_space<vmem>>) offsets(%dma_start3A_132 : memref<128xi32, #tpu.memory_space<vmem>>) semaphore(%arg9 : memref<!tpu.dma_semaphore, #tpu.memory_space<semaphore_mem>>)
    %dma_wait3A_136 = arith.constant 0 : i32
    %dma_wait3A_137 = arith.constant 0 : i32
    %dma_wait3A_138 = arith.constant 0 : i32
    %dma_wait3A_139 = arith.constant 1 : i32
    %dma_wait3A_140 = arith.constant 0 : i32
    %dma_wait3A_141 = tpu.memref_slice %arg6[%dma_wait3A_139, %dma_wait3A_140] : memref<8x128xi32, #tpu.memory_space<vmem>> -> memref<1x128xi32, #tpu.memory_space<vmem>>
    %dma_wait3A_142 = tpu.memref_squeeze %dma_wait3A_141 : memref<1x128xi32, #tpu.memory_space<vmem>> -> memref<128xi32, #tpu.memory_space<vmem>>
    %dma_wait3A_143 = arith.constant 0 : i32
    %dma_wait3A_144 = tpu.memref_slice %arg3[%dma_wait3A_136, %dma_wait3A_137, %dma_wait3A_138, %dma_wait3A_143] : memref<32x27x25x128xi32, #tpu.memory_space<hbm>> -> memref<1x1x1x128xi32, #tpu.memory_space<hbm>>
    %dma_wait3A_145 = tpu.memref_squeeze %dma_wait3A_144 : memref<1x1x1x128xi32, #tpu.memory_space<hbm>> -> memref<128xi32, #tpu.memory_space<hbm>>
    %dma_wait3A_146 = arith.constant 0 : i32
    %dma_wait3A_147 = tpu.memref_slice %arg6[%dma_wait3A_139, %dma_wait3A_146] : memref<8x128xi32, #tpu.memory_space<vmem>> -> memref<1x128xi32, #tpu.memory_space<vmem>>
    %dma_wait3A_148 = tpu.memref_squeeze %dma_wait3A_147 : memref<1x128xi32, #tpu.memory_space<vmem>> -> memref<128xi32, #tpu.memory_space<vmem>>
    %dma_wait3A_149 = arith.constant 0 : i32
    %dma_wait3A_150 = tpu.memref_slice %arg3[%dma_wait3A_136, %dma_wait3A_137, %dma_wait3A_138, %dma_wait3A_149] : memref<32x27x25x128xi32, #tpu.memory_space<hbm>> -> memref<1x1x1x128xi32, #tpu.memory_space<hbm>>
    %dma_wait3A_151 = tpu.memref_squeeze %dma_wait3A_150 : memref<1x1x1x128xi32, #tpu.memory_space<hbm>> -> memref<128xi32, #tpu.memory_space<hbm>>
    tpu.wait_dma2 semaphore(%arg8 : memref<!tpu.dma_semaphore, #tpu.memory_space<semaphore_mem>>) src(%dma_wait3A_151 : memref<128xi32, #tpu.memory_space<hbm>>) dst(%dma_wait3A_148 : memref<128xi32, #tpu.memory_space<vmem>>)
    %dma_start3A_152 = arith.constant 1 : i32
    %dma_start3A_153 = arith.constant 1 : i32
    %dma_start3A_154 = arith.constant 0 : i32
    %dma_start3A_155 = arith.constant 0 : i32
    %dma_start3A_156 = tpu.memref_slice %arg7[%dma_start3A_153, %dma_start3A_154, %dma_start3A_155] : memref<6x128x16xf32, #tpu.memory_space<vmem>> -> memref<1x128x16xf32, #tpu.memory_space<vmem>>
    %dma_start3A_157 = tpu.memref_squeeze %dma_start3A_156 : memref<1x128x16xf32, #tpu.memory_space<vmem>> -> memref<128x16xf32, #tpu.memory_space<vmem>>
    %dma_start3A_158 = arith.constant 0 : i32
    %dma_start3A_159 = tpu.memref_slice %arg6[%dma_start3A_152, %dma_start3A_158] : memref<8x128xi32, #tpu.memory_space<vmem>> -> memref<1x128xi32, #tpu.memory_space<vmem>>
    %dma_start3A_160 = tpu.memref_squeeze %dma_start3A_159 : memref<1x128xi32, #tpu.memory_space<vmem>> -> memref<128xi32, #tpu.memory_space<vmem>>
    %dma_start3A_161 = arith.constant 0 : i32
    %dma_start3A_162 = arith.constant 0 : i32
    %dma_start3A_163 = tpu.memref_slice %arg5[%dma_start3A_161, %dma_start3A_162] : memref<100008x16xf32, #tpu.memory_space<vmem_shared>> -> memref<100008x16xf32, #tpu.memory_space<vmem_shared>>
    tpu.enqueue_indirect_dma source(%dma_start3A_163 : memref<100008x16xf32, #tpu.memory_space<vmem_shared>>) target(%dma_start3A_157 : memref<128x16xf32, #tpu.memory_space<vmem>>) offsets(%dma_start3A_160 : memref<128xi32, #tpu.memory_space<vmem>>) semaphore(%arg9 : memref<!tpu.dma_semaphore, #tpu.memory_space<semaphore_mem>>)
    %dma_wait3A_164 = arith.constant 0 : i32
    %dma_wait3A_165 = arith.constant 0 : i32
    %dma_wait3A_166 = arith.constant 0 : i32
    %dma_wait3A_167 = arith.constant 2 : i32
    %dma_wait3A_168 = arith.constant 0 : i32
    %dma_wait3A_169 = tpu.memref_slice %arg6[%dma_wait3A_167, %dma_wait3A_168] : memref<8x128xi32, #tpu.memory_space<vmem>> -> memref<1x128xi32, #tpu.memory_space<vmem>>
    %dma_wait3A_170 = tpu.memref_squeeze %dma_wait3A_169 : memref<1x128xi32, #tpu.memory_space<vmem>> -> memref<128xi32, #tpu.memory_space<vmem>>
    %dma_wait3A_171 = arith.constant 0 : i32
    %dma_wait3A_172 = tpu.memref_slice %arg3[%dma_wait3A_164, %dma_wait3A_165, %dma_wait3A_166, %dma_wait3A_171] : memref<32x27x25x128xi32, #tpu.memory_space<hbm>> -> memref<1x1x1x128xi32, #tpu.memory_space<hbm>>
    %dma_wait3A_173 = tpu.memref_squeeze %dma_wait3A_172 : memref<1x1x1x128xi32, #tpu.memory_space<hbm>> -> memref<128xi32, #tpu.memory_space<hbm>>
    %dma_wait3A_174 = arith.constant 0 : i32
    %dma_wait3A_175 = tpu.memref_slice %arg6[%dma_wait3A_167, %dma_wait3A_174] : memref<8x128xi32, #tpu.memory_space<vmem>> -> memref<1x128xi32, #tpu.memory_space<vmem>>
    %dma_wait3A_176 = tpu.memref_squeeze %dma_wait3A_175 : memref<1x128xi32, #tpu.memory_space<vmem>> -> memref<128xi32, #tpu.memory_space<vmem>>
    %dma_wait3A_177 = arith.constant 0 : i32
    %dma_wait3A_178 = tpu.memref_slice %arg3[%dma_wait3A_164, %dma_wait3A_165, %dma_wait3A_166, %dma_wait3A_177] : memref<32x27x25x128xi32, #tpu.memory_space<hbm>> -> memref<1x1x1x128xi32, #tpu.memory_space<hbm>>
    %dma_wait3A_179 = tpu.memref_squeeze %dma_wait3A_178 : memref<1x1x1x128xi32, #tpu.memory_space<hbm>> -> memref<128xi32, #tpu.memory_space<hbm>>
    tpu.wait_dma2 semaphore(%arg8 : memref<!tpu.dma_semaphore, #tpu.memory_space<semaphore_mem>>) src(%dma_wait3A_179 : memref<128xi32, #tpu.memory_space<hbm>>) dst(%dma_wait3A_176 : memref<128xi32, #tpu.memory_space<vmem>>)
    %dma_start3A_180 = arith.constant 2 : i32
    %dma_start3A_181 = arith.constant 2 : i32
    %dma_start3A_182 = arith.constant 0 : i32
    %dma_start3A_183 = arith.constant 0 : i32
    %dma_start3A_184 = tpu.memref_slice %arg7[%dma_start3A_181, %dma_start3A_182, %dma_start3A_183] : memref<6x128x16xf32, #tpu.memory_space<vmem>> -> memref<1x128x16xf32, #tpu.memory_space<vmem>>
    %dma_start3A_185 = tpu.memref_squeeze %dma_start3A_184 : memref<1x128x16xf32, #tpu.memory_space<vmem>> -> memref<128x16xf32, #tpu.memory_space<vmem>>
    %dma_start3A_186 = arith.constant 0 : i32
    %dma_start3A_187 = tpu.memref_slice %arg6[%dma_start3A_180, %dma_start3A_186] : memref<8x128xi32, #tpu.memory_space<vmem>> -> memref<1x128xi32, #tpu.memory_space<vmem>>
    %dma_start3A_188 = tpu.memref_squeeze %dma_start3A_187 : memref<1x128xi32, #tpu.memory_space<vmem>> -> memref<128xi32, #tpu.memory_space<vmem>>
    %dma_start3A_189 = arith.constant 0 : i32
    %dma_start3A_190 = arith.constant 0 : i32
    %dma_start3A_191 = tpu.memref_slice %arg5[%dma_start3A_189, %dma_start3A_190] : memref<100008x16xf32, #tpu.memory_space<vmem_shared>> -> memref<100008x16xf32, #tpu.memory_space<vmem_shared>>
    tpu.enqueue_indirect_dma source(%dma_start3A_191 : memref<100008x16xf32, #tpu.memory_space<vmem_shared>>) target(%dma_start3A_185 : memref<128x16xf32, #tpu.memory_space<vmem>>) offsets(%dma_start3A_188 : memref<128xi32, #tpu.memory_space<vmem>>) semaphore(%arg9 : memref<!tpu.dma_semaphore, #tpu.memory_space<semaphore_mem>>)
    %scan3A = arith.constant 0 : i32
    %scan3A_192 = arith.constant 0 : i32
    %scan3A_193 = arith.constant 675 : i32
    %scan3A_194 = arith.addi %scan3A_192, %scan3A_193 : i32
    %scan3A_195 = arith.constant 1 : i32
    %scan3A_196 = scf.for %scan3A_205 = %scan3A_192 to %scan3A_194 step %scan3A_195 iter_args(%scan3A_206 = %scan3A) -> (i32)  : i32 {
      %jit3A = arith.constant 6 : i32
      %eq3A_207 = arith.constant 0 : i32
      %eq3A_208 = arith.cmpi eq, %jit3A, %eq3A_207 : i32
      %jit3A_209 = arith.constant 1 : i32
      %select_n3A = arith.select %eq3A_208, %jit3A_209, %jit3A : i32
      %rem3A = arith.remsi %scan3A_205, %select_n3A : i32
      %ne3A = arith.constant 0 : i32
      %ne3A_210 = arith.cmpi ne, %rem3A, %ne3A : i32
      %lt3A = arith.constant 0 : i32
      %lt3A_211 = arith.cmpi slt, %rem3A, %lt3A : i32
      %lt3A_212 = arith.constant 0 : i32
      %lt3A_213 = arith.cmpi slt, %select_n3A, %lt3A_212 : i32
      %ne3A_214 = arith.xori %lt3A_211, %lt3A_213 : i1
      %and3A = arith.andi %ne3A_214, %ne3A_210 : i1
      %add3A_215 = arith.addi %rem3A, %select_n3A : i32
      %select_n3A_216 = arith.select %and3A, %add3A_215, %rem3A : i32
      %dma_wait3A_217 = arith.constant 0 : i32
      %dma_wait3A_218 = arith.constant 0 : i32
      %dma_wait3A_219 = tpu.memref_slice %arg7[%select_n3A_216, %dma_wait3A_217, %dma_wait3A_218] : memref<6x128x16xf32, #tpu.memory_space<vmem>> -> memref<1x128x16xf32, #tpu.memory_space<vmem>>
      %dma_wait3A_220 = tpu.memref_squeeze %dma_wait3A_219 : memref<1x128x16xf32, #tpu.memory_space<vmem>> -> memref<128x16xf32, #tpu.memory_space<vmem>>
      %dma_wait3A_221 = arith.constant 0 : i32
      %dma_wait3A_222 = arith.constant 0 : i32
      %dma_wait3A_223 = tpu.memref_slice %arg2[%dma_wait3A_221, %dma_wait3A_222] : memref<100008x16xf32, #tpu.memory_space<hbm>> -> memref<128x16xf32, #tpu.memory_space<hbm>>
      %dma_wait3A_224 = arith.constant 0 : i32
      %dma_wait3A_225 = arith.constant 0 : i32
      %dma_wait3A_226 = tpu.memref_slice %arg7[%select_n3A_216, %dma_wait3A_224, %dma_wait3A_225] : memref<6x128x16xf32, #tpu.memory_space<vmem>> -> memref<1x128x16xf32, #tpu.memory_space<vmem>>
      %dma_wait3A_227 = tpu.memref_squeeze %dma_wait3A_226 : memref<1x128x16xf32, #tpu.memory_space<vmem>> -> memref<128x16xf32, #tpu.memory_space<vmem>>
      %dma_wait3A_228 = arith.constant 0 : i32
      %dma_wait3A_229 = arith.constant 0 : i32
      %dma_wait3A_230 = tpu.memref_slice %arg2[%dma_wait3A_228, %dma_wait3A_229] : memref<100008x16xf32, #tpu.memory_space<hbm>> -> memref<128x16xf32, #tpu.memory_space<hbm>>
      tpu.wait_dma2 semaphore(%arg9 : memref<!tpu.dma_semaphore, #tpu.memory_space<semaphore_mem>>) src(%dma_wait3A_230 : memref<128x16xf32, #tpu.memory_space<hbm>>) dst(%dma_wait3A_227 : memref<128x16xf32, #tpu.memory_space<vmem>>)
      %jit3A_231 = arith.constant 25 : i32
      %div3A = arith.divsi %scan3A_205, %jit3A_231 : i32
      %sign3A = arith.constant 0 : i32
      %sign3A_232 = arith.cmpi sgt, %scan3A_205, %sign3A : i32
      %sign3A_233 = arith.extui %sign3A_232 : i1 to i32
      %sign3A_234 = arith.constant 0 : i32
      %sign3A_235 = arith.cmpi slt, %scan3A_205, %sign3A_234 : i32
      %sign3A_236 = arith.extui %sign3A_235 : i1 to i32
      %sign3A_237 = arith.subi %sign3A_233, %sign3A_236 : i32
      %sign3A_238 = arith.constant 0 : i32
      %sign3A_239 = arith.cmpi sgt, %jit3A_231, %sign3A_238 : i32
      %sign3A_240 = arith.extui %sign3A_239 : i1 to i32
      %sign3A_241 = arith.constant 0 : i32
      %sign3A_242 = arith.cmpi slt, %jit3A_231, %sign3A_241 : i32
      %sign3A_243 = arith.extui %sign3A_242 : i1 to i32
      %sign3A_244 = arith.subi %sign3A_240, %sign3A_243 : i32
      %ne3A_245 = arith.cmpi ne, %sign3A_237, %sign3A_244 : i32
      %rem3A_246 = arith.remsi %scan3A_205, %jit3A_231 : i32
      %ne3A_247 = arith.constant 0 : i32
      %ne3A_248 = arith.cmpi ne, %rem3A_246, %ne3A_247 : i32
      %and3A_249 = arith.andi %ne3A_245, %ne3A_248 : i1
      %sub3A = arith.constant 1 : i32
      %sub3A_250 = arith.subi %div3A, %sub3A : i32
      %select_n3A_251 = arith.select %and3A_249, %sub3A_250, %div3A : i32
      %jit3A_252 = arith.constant 25 : i32
      %eq3A_253 = arith.constant 0 : i32
      %eq3A_254 = arith.cmpi eq, %jit3A_252, %eq3A_253 : i32
      %jit3A_255 = arith.constant 1 : i32
      %select_n3A_256 = arith.select %eq3A_254, %jit3A_255, %jit3A_252 : i32
      %rem3A_257 = arith.remsi %scan3A_205, %select_n3A_256 : i32
      %ne3A_258 = arith.constant 0 : i32
      %ne3A_259 = arith.cmpi ne, %rem3A_257, %ne3A_258 : i32
      %lt3A_260 = arith.constant 0 : i32
      %lt3A_261 = arith.cmpi slt, %rem3A_257, %lt3A_260 : i32
      %lt3A_262 = arith.constant 0 : i32
      %lt3A_263 = arith.cmpi slt, %select_n3A_256, %lt3A_262 : i32
      %ne3A_264 = arith.xori %lt3A_261, %lt3A_263 : i1
      %and3A_265 = arith.andi %ne3A_264, %ne3A_259 : i1
      %add3A_266 = arith.addi %rem3A_257, %select_n3A_256 : i32
      %select_n3A_267 = arith.select %and3A_265, %add3A_266, %rem3A_257 : i32
      %jit3A_268 = arith.constant 6 : i32
      %eq3A_269 = arith.constant 0 : i32
      %eq3A_270 = arith.cmpi eq, %jit3A_268, %eq3A_269 : i32
      %jit3A_271 = arith.constant 1 : i32
      %select_n3A_272 = arith.select %eq3A_270, %jit3A_271, %jit3A_268 : i32
      %rem3A_273 = arith.remsi %scan3A_205, %select_n3A_272 : i32
      %ne3A_274 = arith.constant 0 : i32
      %ne3A_275 = arith.cmpi ne, %rem3A_273, %ne3A_274 : i32
      %lt3A_276 = arith.constant 0 : i32
      %lt3A_277 = arith.cmpi slt, %rem3A_273, %lt3A_276 : i32
      %lt3A_278 = arith.constant 0 : i32
      %lt3A_279 = arith.cmpi slt, %select_n3A_272, %lt3A_278 : i32
      %ne3A_280 = arith.xori %lt3A_277, %lt3A_279 : i1
      %and3A_281 = arith.andi %ne3A_280, %ne3A_275 : i1
      %add3A_282 = arith.addi %rem3A_273, %select_n3A_272 : i32
      %select_n3A_283 = arith.select %and3A_281, %add3A_282, %rem3A_273 : i32
      %mul3A_284 = arith.constant 128 : i32
      %mul3A_285 = arith.muli %select_n3A_267, %mul3A_284 : i32
      %add3A_286 = arith.addi %mul3A_2, %mul3A_285 : i32
      %mul3A_287 = arith.constant 16 : i32
      %mul3A_288 = arith.muli %select_n3A_251, %mul3A_287 : i32
      %dma_start3A_289 = arith.constant 0 : i32
      %dma_start3A_290 = arith.constant 0 : i32
      %dma_start3A_291 = tpu.memref_slice %arg7[%select_n3A_283, %dma_start3A_289, %dma_start3A_290] : memref<6x128x16xf32, #tpu.memory_space<vmem>> -> memref<1x128x16xf32, #tpu.memory_space<vmem>>
      %dma_start3A_292 = tpu.memref_squeeze %dma_start3A_291 : memref<1x128x16xf32, #tpu.memory_space<vmem>> -> memref<128x16xf32, #tpu.memory_space<vmem>>
      %dma_start3A_293 = tpu.memref_slice %arg4[%add3A_286, %mul3A_288] : memref<102400x432xf32, #tpu.memory_space<hbm>> -> memref<128x16xf32, #tpu.memory_space<hbm>>
      %dma_start3A_294 = tpu.memref_slice %arg4[%add3A_286, %mul3A_288] : memref<102400x432xf32, #tpu.memory_space<hbm>> -> memref<128x16xf32, #tpu.memory_space<hbm>>
      %dma_start3A_295 = arith.constant 0 : i32
      %dma_start3A_296 = arith.constant 0 : i32
      %dma_start3A_297 = tpu.memref_slice %arg7[%select_n3A_283, %dma_start3A_295, %dma_start3A_296] : memref<6x128x16xf32, #tpu.memory_space<vmem>> -> memref<1x128x16xf32, #tpu.memory_space<vmem>>
      %dma_start3A_298 = tpu.memref_squeeze %dma_start3A_297 : memref<1x128x16xf32, #tpu.memory_space<vmem>> -> memref<128x16xf32, #tpu.memory_space<vmem>>
      tpu.enqueue_dma source(%dma_start3A_298 : memref<128x16xf32, #tpu.memory_space<vmem>>) target(%dma_start3A_294 : memref<128x16xf32, #tpu.memory_space<hbm>>) target_semaphore(%arg10 : memref<!tpu.dma_semaphore, #tpu.memory_space<semaphore_mem>>)
      %add3A_299 = arith.constant 3 : i32
      %add3A_300 = arith.addi %scan3A_205, %add3A_299 : i32
      %lt3A_301 = arith.constant 675 : i32
      %lt3A_302 = arith.cmpi slt, %add3A_300, %lt3A_301 : i32
      %convert_element_type3A_303 = arith.extui %lt3A_302 : i1 to i32
      %cond3A_304 = arith.constant 0 : i32
      %cond3A_305 = arith.cmpi ne, %convert_element_type3A_303, %cond3A_304 : i32
      scf.if %cond3A_305 {
        %ge3A = arith.constant 6 : i32
        %ge3A_307 = arith.cmpi sge, %add3A_300, %ge3A : i32
        %convert_element_type3A_308 = arith.extui %ge3A_307 : i1 to i32
        %cond3A_309 = arith.constant 0 : i32
        %cond3A_310 = arith.cmpi ne, %convert_element_type3A_308, %cond3A_309 : i32
        scf.if %cond3A_310 {
          %dma_wait3A_391 = arith.constant 0 : i32
          %dma_wait3A_392 = arith.constant 0 : i32
          %dma_wait3A_393 = arith.constant 0 : i32
          %dma_wait3A_394 = tpu.memref_slice %arg7[%dma_wait3A_391, %dma_wait3A_392, %dma_wait3A_393] : memref<6x128x16xf32, #tpu.memory_space<vmem>> -> memref<1x128x16xf32, #tpu.memory_space<vmem>>
          %dma_wait3A_395 = tpu.memref_squeeze %dma_wait3A_394 : memref<1x128x16xf32, #tpu.memory_space<vmem>> -> memref<128x16xf32, #tpu.memory_space<vmem>>
          %dma_wait3A_396 = arith.constant 0 : i32
          %dma_wait3A_397 = tpu.memref_slice %arg4[%mul3A_2, %dma_wait3A_396] : memref<102400x432xf32, #tpu.memory_space<hbm>> -> memref<128x16xf32, #tpu.memory_space<hbm>>
          %dma_wait3A_398 = arith.constant 0 : i32
          %dma_wait3A_399 = tpu.memref_slice %arg4[%mul3A_2, %dma_wait3A_398] : memref<102400x432xf32, #tpu.memory_space<hbm>> -> memref<128x16xf32, #tpu.memory_space<hbm>>
          %dma_wait3A_400 = arith.constant 0 : i32
          %dma_wait3A_401 = arith.constant 0 : i32
          %dma_wait3A_402 = tpu.memref_slice %arg7[%dma_wait3A_391, %dma_wait3A_400, %dma_wait3A_401] : memref<6x128x16xf32, #tpu.memory_space<vmem>> -> memref<1x128x16xf32, #tpu.memory_space<vmem>>
          %dma_wait3A_403 = tpu.memref_squeeze %dma_wait3A_402 : memref<1x128x16xf32, #tpu.memory_space<vmem>> -> memref<128x16xf32, #tpu.memory_space<vmem>>
          tpu.wait_dma2 semaphore(%arg10 : memref<!tpu.dma_semaphore, #tpu.memory_space<semaphore_mem>>) src(%dma_wait3A_403 : memref<128x16xf32, #tpu.memory_space<vmem>>) dst(%dma_wait3A_399 : memref<128x16xf32, #tpu.memory_space<hbm>>)
        } else {
        }
        %jit3A_311 = arith.constant 8 : i32
        %eq3A_312 = arith.constant 0 : i32
        %eq3A_313 = arith.cmpi eq, %jit3A_311, %eq3A_312 : i32
        %jit3A_314 = arith.constant 1 : i32
        %select_n3A_315 = arith.select %eq3A_313, %jit3A_314, %jit3A_311 : i32
        %rem3A_316 = arith.remsi %add3A_300, %select_n3A_315 : i32
        %ne3A_317 = arith.constant 0 : i32
        %ne3A_318 = arith.cmpi ne, %rem3A_316, %ne3A_317 : i32
        %lt3A_319 = arith.constant 0 : i32
        %lt3A_320 = arith.cmpi slt, %rem3A_316, %lt3A_319 : i32
        %lt3A_321 = arith.constant 0 : i32
        %lt3A_322 = arith.cmpi slt, %select_n3A_315, %lt3A_321 : i32
        %ne3A_323 = arith.xori %lt3A_320, %lt3A_322 : i1
        %and3A_324 = arith.andi %ne3A_323, %ne3A_318 : i1
        %add3A_325 = arith.addi %rem3A_316, %select_n3A_315 : i32
        %select_n3A_326 = arith.select %and3A_324, %add3A_325, %rem3A_316 : i32
        %dma_wait3A_327 = arith.constant 0 : i32
        %dma_wait3A_328 = arith.constant 0 : i32
        %dma_wait3A_329 = arith.constant 0 : i32
        %dma_wait3A_330 = arith.constant 0 : i32
        %dma_wait3A_331 = tpu.memref_slice %arg6[%select_n3A_326, %dma_wait3A_330] : memref<8x128xi32, #tpu.memory_space<vmem>> -> memref<1x128xi32, #tpu.memory_space<vmem>>
        %dma_wait3A_332 = tpu.memref_squeeze %dma_wait3A_331 : memref<1x128xi32, #tpu.memory_space<vmem>> -> memref<128xi32, #tpu.memory_space<vmem>>
        %dma_wait3A_333 = arith.constant 0 : i32
        %dma_wait3A_334 = tpu.memref_slice %arg3[%dma_wait3A_327, %dma_wait3A_328, %dma_wait3A_329, %dma_wait3A_333] : memref<32x27x25x128xi32, #tpu.memory_space<hbm>> -> memref<1x1x1x128xi32, #tpu.memory_space<hbm>>
        %dma_wait3A_335 = tpu.memref_squeeze %dma_wait3A_334 : memref<1x1x1x128xi32, #tpu.memory_space<hbm>> -> memref<128xi32, #tpu.memory_space<hbm>>
        %dma_wait3A_336 = arith.constant 0 : i32
        %dma_wait3A_337 = tpu.memref_slice %arg6[%select_n3A_326, %dma_wait3A_336] : memref<8x128xi32, #tpu.memory_space<vmem>> -> memref<1x128xi32, #tpu.memory_space<vmem>>
        %dma_wait3A_338 = tpu.memref_squeeze %dma_wait3A_337 : memref<1x128xi32, #tpu.memory_space<vmem>> -> memref<128xi32, #tpu.memory_space<vmem>>
        %dma_wait3A_339 = arith.constant 0 : i32
        %dma_wait3A_340 = tpu.memref_slice %arg3[%dma_wait3A_327, %dma_wait3A_328, %dma_wait3A_329, %dma_wait3A_339] : memref<32x27x25x128xi32, #tpu.memory_space<hbm>> -> memref<1x1x1x128xi32, #tpu.memory_space<hbm>>
        %dma_wait3A_341 = tpu.memref_squeeze %dma_wait3A_340 : memref<1x1x1x128xi32, #tpu.memory_space<hbm>> -> memref<128xi32, #tpu.memory_space<hbm>>
        tpu.wait_dma2 semaphore(%arg8 : memref<!tpu.dma_semaphore, #tpu.memory_space<semaphore_mem>>) src(%dma_wait3A_341 : memref<128xi32, #tpu.memory_space<hbm>>) dst(%dma_wait3A_338 : memref<128xi32, #tpu.memory_space<vmem>>)
        %jit3A_342 = arith.constant 8 : i32
        %eq3A_343 = arith.constant 0 : i32
        %eq3A_344 = arith.cmpi eq, %jit3A_342, %eq3A_343 : i32
        %jit3A_345 = arith.constant 1 : i32
        %select_n3A_346 = arith.select %eq3A_344, %jit3A_345, %jit3A_342 : i32
        %rem3A_347 = arith.remsi %add3A_300, %select_n3A_346 : i32
        %ne3A_348 = arith.constant 0 : i32
        %ne3A_349 = arith.cmpi ne, %rem3A_347, %ne3A_348 : i32
        %lt3A_350 = arith.constant 0 : i32
        %lt3A_351 = arith.cmpi slt, %rem3A_347, %lt3A_350 : i32
        %lt3A_352 = arith.constant 0 : i32
        %lt3A_353 = arith.cmpi slt, %select_n3A_346, %lt3A_352 : i32
        %ne3A_354 = arith.xori %lt3A_351, %lt3A_353 : i1
        %and3A_355 = arith.andi %ne3A_354, %ne3A_349 : i1
        %add3A_356 = arith.addi %rem3A_347, %select_n3A_346 : i32
        %select_n3A_357 = arith.select %and3A_355, %add3A_356, %rem3A_347 : i32
        %jit3A_358 = arith.constant 6 : i32
        %eq3A_359 = arith.constant 0 : i32
        %eq3A_360 = arith.cmpi eq, %jit3A_358, %eq3A_359 : i32
        %jit3A_361 = arith.constant 1 : i32
        %select_n3A_362 = arith.select %eq3A_360, %jit3A_361, %jit3A_358 : i32
        %rem3A_363 = arith.remsi %add3A_300, %select_n3A_362 : i32
        %ne3A_364 = arith.constant 0 : i32
        %ne3A_365 = arith.cmpi ne, %rem3A_363, %ne3A_364 : i32
        %lt3A_366 = arith.constant 0 : i32
        %lt3A_367 = arith.cmpi slt, %rem3A_363, %lt3A_366 : i32
        %lt3A_368 = arith.constant 0 : i32
        %lt3A_369 = arith.cmpi slt, %select_n3A_362, %lt3A_368 : i32
        %ne3A_370 = arith.xori %lt3A_367, %lt3A_369 : i1
        %and3A_371 = arith.andi %ne3A_370, %ne3A_365 : i1
        %add3A_372 = arith.addi %rem3A_363, %select_n3A_362 : i32
        %select_n3A_373 = arith.select %and3A_371, %add3A_372, %rem3A_363 : i32
        %dma_start3A_374 = arith.constant 0 : i32
        %dma_start3A_375 = arith.constant 0 : i32
        %dma_start3A_376 = tpu.memref_slice %arg7[%select_n3A_373, %dma_start3A_374, %dma_start3A_375] : memref<6x128x16xf32, #tpu.memory_space<vmem>> -> memref<1x128x16xf32, #tpu.memory_space<vmem>>
        %dma_start3A_377 = tpu.memref_squeeze %dma_start3A_376 : memref<1x128x16xf32, #tpu.memory_space<vmem>> -> memref<128x16xf32, #tpu.memory_space<vmem>>
        %dma_start3A_378 = arith.constant 0 : i32
        %dma_start3A_379 = tpu.memref_slice %arg6[%select_n3A_357, %dma_start3A_378] : memref<8x128xi32, #tpu.memory_space<vmem>> -> memref<1x128xi32, #tpu.memory_space<vmem>>
        %dma_start3A_380 = tpu.memref_squeeze %dma_start3A_379 : memref<1x128xi32, #tpu.memory_space<vmem>> -> memref<128xi32, #tpu.memory_space<vmem>>
        %dma_start3A_381 = arith.constant 0 : i32
        %dma_start3A_382 = arith.constant 0 : i32
        %dma_start3A_383 = tpu.memref_slice %arg5[%dma_start3A_381, %dma_start3A_382] : memref<100008x16xf32, #tpu.memory_space<vmem_shared>> -> memref<100008x16xf32, #tpu.memory_space<vmem_shared>>
        tpu.enqueue_indirect_dma source(%dma_start3A_383 : memref<100008x16xf32, #tpu.memory_space<vmem_shared>>) target(%dma_start3A_377 : memref<128x16xf32, #tpu.memory_space<vmem>>) offsets(%dma_start3A_380 : memref<128xi32, #tpu.memory_space<vmem>>) semaphore(%arg9 : memref<!tpu.dma_semaphore, #tpu.memory_space<semaphore_mem>>)
        %add3A_384 = arith.constant 4 : i32
        %add3A_385 = arith.addi %add3A_300, %add3A_384 : i32
        %lt3A_386 = arith.constant 675 : i32
        %lt3A_387 = arith.cmpi slt, %add3A_385, %lt3A_386 : i32
        %convert_element_type3A_388 = arith.extui %lt3A_387 : i1 to i32
        %cond3A_389 = arith.constant 0 : i32
        %cond3A_390 = arith.cmpi ne, %convert_element_type3A_388, %cond3A_389 : i32
        scf.if %cond3A_390 {
          %jit3A_391 = arith.constant 25 : i32
          %div3A_392 = arith.divsi %add3A_385, %jit3A_391 : i32
          %sign3A_393 = arith.constant 0 : i32
          %sign3A_394 = arith.cmpi sgt, %add3A_385, %sign3A_393 : i32
          %sign3A_395 = arith.extui %sign3A_394 : i1 to i32
          %sign3A_396 = arith.constant 0 : i32
          %sign3A_397 = arith.cmpi slt, %add3A_385, %sign3A_396 : i32
          %sign3A_398 = arith.extui %sign3A_397 : i1 to i32
          %sign3A_399 = arith.subi %sign3A_395, %sign3A_398 : i32
          %sign3A_400 = arith.constant 0 : i32
          %sign3A_401 = arith.cmpi sgt, %jit3A_391, %sign3A_400 : i32
          %sign3A_402 = arith.extui %sign3A_401 : i1 to i32
          %sign3A_403 = arith.constant 0 : i32
          %sign3A_404 = arith.cmpi slt, %jit3A_391, %sign3A_403 : i32
          %sign3A_405 = arith.extui %sign3A_404 : i1 to i32
          %sign3A_406 = arith.subi %sign3A_402, %sign3A_405 : i32
          %ne3A_407 = arith.cmpi ne, %sign3A_399, %sign3A_406 : i32
          %rem3A_408 = arith.remsi %add3A_385, %jit3A_391 : i32
          %ne3A_409 = arith.constant 0 : i32
          %ne3A_410 = arith.cmpi ne, %rem3A_408, %ne3A_409 : i32
          %and3A_411 = arith.andi %ne3A_407, %ne3A_410 : i1
          %sub3A_412 = arith.constant 1 : i32
          %sub3A_413 = arith.subi %div3A_392, %sub3A_412 : i32
          %select_n3A_414 = arith.select %and3A_411, %sub3A_413, %div3A_392 : i32
          %jit3A_415 = arith.constant 25 : i32
          %eq3A_416 = arith.constant 0 : i32
          %eq3A_417 = arith.cmpi eq, %jit3A_415, %eq3A_416 : i32
          %jit3A_418 = arith.constant 1 : i32
          %select_n3A_419 = arith.select %eq3A_417, %jit3A_418, %jit3A_415 : i32
          %rem3A_420 = arith.remsi %add3A_385, %select_n3A_419 : i32
          %ne3A_421 = arith.constant 0 : i32
          %ne3A_422 = arith.cmpi ne, %rem3A_420, %ne3A_421 : i32
          %lt3A_423 = arith.constant 0 : i32
          %lt3A_424 = arith.cmpi slt, %rem3A_420, %lt3A_423 : i32
          %lt3A_425 = arith.constant 0 : i32
          %lt3A_426 = arith.cmpi slt, %select_n3A_419, %lt3A_425 : i32
          %ne3A_427 = arith.xori %lt3A_424, %lt3A_426 : i1
          %and3A_428 = arith.andi %ne3A_427, %ne3A_422 : i1
          %add3A_429 = arith.addi %rem3A_420, %select_n3A_419 : i32
          %select_n3A_430 = arith.select %and3A_428, %add3A_429, %rem3A_420 : i32
          %jit3A_431 = arith.constant 8 : i32
          %eq3A_432 = arith.constant 0 : i32
          %eq3A_433 = arith.cmpi eq, %jit3A_431, %eq3A_432 : i32
          %jit3A_434 = arith.constant 1 : i32
          %select_n3A_435 = arith.select %eq3A_433, %jit3A_434, %jit3A_431 : i32
          %rem3A_436 = arith.remsi %add3A_385, %select_n3A_435 : i32
          %ne3A_437 = arith.constant 0 : i32
          %ne3A_438 = arith.cmpi ne, %rem3A_436, %ne3A_437 : i32
          %lt3A_439 = arith.constant 0 : i32
          %lt3A_440 = arith.cmpi slt, %rem3A_436, %lt3A_439 : i32
          %lt3A_441 = arith.constant 0 : i32
          %lt3A_442 = arith.cmpi slt, %select_n3A_435, %lt3A_441 : i32
          %ne3A_443 = arith.xori %lt3A_440, %lt3A_442 : i1
          %and3A_444 = arith.andi %ne3A_443, %ne3A_438 : i1
          %add3A_445 = arith.addi %rem3A_436, %select_n3A_435 : i32
          %select_n3A_446 = arith.select %and3A_444, %add3A_445, %rem3A_436 : i32
          %dma_start3A_447 = arith.constant 0 : i32
          %dma_start3A_448 = tpu.memref_slice %arg6[%select_n3A_446, %dma_start3A_447] : memref<8x128xi32, #tpu.memory_space<vmem>> -> memref<1x128xi32, #tpu.memory_space<vmem>>
          %dma_start3A_449 = tpu.memref_squeeze %dma_start3A_448 : memref<1x128xi32, #tpu.memory_space<vmem>> -> memref<128xi32, #tpu.memory_space<vmem>>
          %dma_start3A_450 = arith.constant 0 : i32
          %dma_start3A_451 = tpu.memref_slice %arg3[%add3A, %select_n3A_414, %select_n3A_430, %dma_start3A_450] : memref<32x27x25x128xi32, #tpu.memory_space<hbm>> -> memref<1x1x1x128xi32, #tpu.memory_space<hbm>>
          %dma_start3A_452 = tpu.memref_squeeze %dma_start3A_451 : memref<1x1x1x128xi32, #tpu.memory_space<hbm>> -> memref<128xi32, #tpu.memory_space<hbm>>
          %dma_start3A_453 = arith.constant 0 : i32
          %dma_start3A_454 = tpu.memref_slice %arg6[%select_n3A_446, %dma_start3A_453] : memref<8x128xi32, #tpu.memory_space<vmem>> -> memref<1x128xi32, #tpu.memory_space<vmem>>
          %dma_start3A_455 = tpu.memref_squeeze %dma_start3A_454 : memref<1x128xi32, #tpu.memory_space<vmem>> -> memref<128xi32, #tpu.memory_space<vmem>>
          %dma_start3A_456 = arith.constant 0 : i32
          %dma_start3A_457 = tpu.memref_slice %arg3[%add3A, %select_n3A_414, %select_n3A_430, %dma_start3A_456] : memref<32x27x25x128xi32, #tpu.memory_space<hbm>> -> memref<1x1x1x128xi32, #tpu.memory_space<hbm>>
          %dma_start3A_458 = tpu.memref_squeeze %dma_start3A_457 : memref<1x1x1x128xi32, #tpu.memory_space<hbm>> -> memref<128xi32, #tpu.memory_space<hbm>>
          tpu.enqueue_dma source(%dma_start3A_458 : memref<128xi32, #tpu.memory_space<hbm>>) target(%dma_start3A_455 : memref<128xi32, #tpu.memory_space<vmem>>) target_semaphore(%arg8 : memref<!tpu.dma_semaphore, #tpu.memory_space<semaphore_mem>>)
        } else {
        }
      } else {
      }
      %scan3A_306 = arith.constant 0 : i32
      scf.yield %scan3A_306 : i32
    }
    %scan3A_197 = arith.constant 675 : i32
    %scan3A_198 = arith.constant 0 : i32
    %scan3A_199 = arith.constant 0 : i32
    %scan3A_200 = arith.constant 6 : i32
    %scan3A_201 = arith.addi %scan3A_199, %scan3A_200 : i32
    %scan3A_202 = arith.constant 1 : i32
    %scan3A_203 = scf.for %scan3A_205 = %scan3A_199 to %scan3A_201 step %scan3A_202 iter_args(%scan3A_206 = %scan3A_198) -> (i32)  : i32 {
      %dma_wait3A_207 = arith.constant 0 : i32
      %dma_wait3A_208 = arith.constant 0 : i32
      %dma_wait3A_209 = arith.constant 0 : i32
      %dma_wait3A_210 = tpu.memref_slice %arg7[%dma_wait3A_207, %dma_wait3A_208, %dma_wait3A_209] : memref<6x128x16xf32, #tpu.memory_space<vmem>> -> memref<1x128x16xf32, #tpu.memory_space<vmem>>
      %dma_wait3A_211 = tpu.memref_squeeze %dma_wait3A_210 : memref<1x128x16xf32, #tpu.memory_space<vmem>> -> memref<128x16xf32, #tpu.memory_space<vmem>>
      %dma_wait3A_212 = arith.constant 0 : i32
      %dma_wait3A_213 = tpu.memref_slice %arg4[%mul3A_2, %dma_wait3A_212] : memref<102400x432xf32, #tpu.memory_space<hbm>> -> memref<128x16xf32, #tpu.memory_space<hbm>>
      %dma_wait3A_214 = arith.constant 0 : i32
      %dma_wait3A_215 = tpu.memref_slice %arg4[%mul3A_2, %dma_wait3A_214] : memref<102400x432xf32, #tpu.memory_space<hbm>> -> memref<128x16xf32, #tpu.memory_space<hbm>>
      %dma_wait3A_216 = arith.constant 0 : i32
      %dma_wait3A_217 = arith.constant 0 : i32
      %dma_wait3A_218 = tpu.memref_slice %arg7[%dma_wait3A_207, %dma_wait3A_216, %dma_wait3A_217] : memref<6x128x16xf32, #tpu.memory_space<vmem>> -> memref<1x128x16xf32, #tpu.memory_space<vmem>>
      %dma_wait3A_219 = tpu.memref_squeeze %dma_wait3A_218 : memref<1x128x16xf32, #tpu.memory_space<vmem>> -> memref<128x16xf32, #tpu.memory_space<vmem>>
      tpu.wait_dma2 semaphore(%arg10 : memref<!tpu.dma_semaphore, #tpu.memory_space<semaphore_mem>>) src(%dma_wait3A_219 : memref<128x16xf32, #tpu.memory_space<vmem>>) dst(%dma_wait3A_215 : memref<128x16xf32, #tpu.memory_space<hbm>>)
      %scan3A_220 = arith.constant 0 : i32
      scf.yield %scan3A_220 : i32
    }
    %scan3A_204 = arith.constant 6 : i32
    return
  }
}

module attributes {stable_mosaic.version = 14 : i64} {
  func.func @_idx_body(%arg0: i32, %arg1: memref<27x3200xi32, #tpu.memory_space<vmem>>, %arg2: memref<27x3200xi32, #tpu.memory_space<vmem>>, %arg3: memref<1x27x25x128xi32, #tpu.memory_space<vmem>>) attributes {dimension_semantics = [#tpu.dimension_semantics<arbitrary>], iteration_bounds = array<i64: 32>, scalar_prefetch = 0 : i64, scratch_operands = 0 : i64, tpu.core_type = #tpu.core_type<tc>, window_params = [{transform_indices = @transform_0, window_bounds = array<i64: 27, 3200>}, {transform_indices = @transform_1, window_bounds = array<i64: 27, 3200>}, {transform_indices = @transform_2, window_bounds = array<i64: 1, 27, 25, 128>}]} {
    %mul3A = arith.constant 3200 : i32
    %mul3A_0 = arith.muli %arg0, %mul3A : i32
    %iota3A = tpu.iota {dimensions = array<i32: 1>} : vector<27x3200xi32>
    %add3A = vector.broadcast %mul3A_0 : i32 to vector<27x3200xi32>
    %add3A_1 = arith.addi %add3A, %iota3A : vector<27x3200xi32>
    %get3A = arith.constant 0 : index
    %get3A_2 = arith.constant 0 : index
    %get3A_3 = vector.load %arg2[%get3A, %get3A_2] : memref<27x3200xi32, #tpu.memory_space<vmem>>, vector<27x3200xi32>
    %ne3A = arith.constant 0 : i32
    %ne3A_4 = vector.broadcast %ne3A : i32 to vector<27x3200xi32>
    %ne3A_5 = arith.cmpi ne, %get3A_3, %ne3A_4 : vector<27x3200xi32>
    %lt3A = arith.constant 100000 : i32
    %lt3A_6 = vector.broadcast %lt3A : i32 to vector<27x3200xi32>
    %lt3A_7 = arith.cmpi slt, %add3A_1, %lt3A_6 : vector<27x3200xi32>
    %and3A = arith.andi %ne3A_5, %lt3A_7 : vector<27x3200xi1>
    %get3A_8 = arith.constant 0 : index
    %get3A_9 = arith.constant 0 : index
    %get3A_10 = vector.load %arg1[%get3A_8, %get3A_9] : memref<27x3200xi32, #tpu.memory_space<vmem>>, vector<27x3200xi32>
    %jit3A = arith.constant 100000 : i32
    %broadcast_in_dim3A = vector.broadcast %jit3A : i32 to vector<27x3200xi32>
    %select_n3A = arith.select %and3A, %get3A_10, %broadcast_in_dim3A : vector<27x3200xi1>, vector<27x3200xi32>
    %reshape3A = vector.shape_cast %select_n3A : vector<27x3200xi32> to vector<1x27x25x128xi32>
    %swap3A = arith.constant 0 : index
    %swap3A_11 = arith.constant 0 : index
    %swap3A_12 = arith.constant 0 : index
    %swap3A_13 = arith.constant 0 : index
    %swap3A_14 = vector.load %arg3[%swap3A, %swap3A_11, %swap3A_12, %swap3A_13] : memref<1x27x25x128xi32, #tpu.memory_space<vmem>>, vector<1x27x25x128xi32>
    tpu.vector_store %arg3[%swap3A, %swap3A_11, %swap3A_12, %swap3A_13], %reshape3A {strides = array<i32>} : memref<1x27x25x128xi32, #tpu.memory_space<vmem>>, vector<1x27x25x128xi32>,
    return
  }
  func.func @transform_0(%arg0: i32) -> (i32, i32) {
    %c0_i32 = arith.constant 0 : i32
    %c0_i32_0 = arith.constant 0 : i32
    return %c0_i32, %arg0 : i32, i32
  }
  func.func @transform_1(%arg0: i32) -> (i32, i32) {
    %c0_i32 = arith.constant 0 : i32
    %c0_i32_0 = arith.constant 0 : i32
    return %c0_i32, %arg0 : i32, i32
  }
  func.func @transform_2(%arg0: i32) -> (i32, i32, i32, i32) {
    %c0_i32 = arith.constant 0 : i32
    %c0_i32_0 = arith.constant 0 : i32
    %c0_i32_1 = arith.constant 0 : i32
    %c0_i32_2 = arith.constant 0 : i32
    return %arg0, %c0_i32, %c0_i32_0, %c0_i32_1 : i32, i32, i32, i32
  }
}

module attributes {stable_mosaic.version = 14 : i64} {
  func.func @_mm_body(%arg0: i32, %arg1: memref<2048x432xf32, #tpu.memory_space<vmem>>, %arg2: memref<432x16xf32, #tpu.memory_space<vmem>>, %arg3: memref<1x16xf32, #tpu.memory_space<vmem>>, %arg4: memref<2048x16xf32, #tpu.memory_space<vmem>>) attributes {dimension_semantics = [#tpu.dimension_semantics<arbitrary>], iteration_bounds = array<i64: 50>, scalar_prefetch = 0 : i64, scratch_operands = 0 : i64, tpu.core_type = #tpu.core_type<tc>, window_params = [{transform_indices = @transform_0, window_bounds = array<i64: 2048, 432>}, {pipeline_mode = #tpu.pipeline_mode<synchronous>, transform_indices = @transform_1, window_bounds = array<i64: 432, 16>}, {pipeline_mode = #tpu.pipeline_mode<synchronous>, transform_indices = @transform_2, window_bounds = array<i64: 1, 16>}, {transform_indices = @transform_3, window_bounds = array<i64: 2048, 16>}]} {
    %get3A = arith.constant 0 : index
    %get3A_0 = arith.constant 0 : index
    %get3A_1 = vector.load %arg1[%get3A, %get3A_0] : memref<2048x432xf32, #tpu.memory_space<vmem>>, vector<2048x432xf32>
    %get3A_2 = arith.constant 0 : index
    %get3A_3 = arith.constant 0 : index
    %get3A_4 = vector.load %arg2[%get3A_2, %get3A_3] : memref<432x16xf32, #tpu.memory_space<vmem>>, vector<432x16xf32>
    %dot_general3A = arith.constant dense<0.000000e+00> : vector<2048x16xf32>
    %dot_general3A_5 = tpu.matmul %get3A_1, %get3A_4, %dot_general3A {dimension_numbers = #tpu.dot_dimension_numbers<[1], [0], [0], [1], [0, 0, 1, 1], [], []>, transpose_lhs_hint = false} : vector<2048x432xf32>, vector<432x16xf32>, vector<2048x16xf32> -> vector<2048x16xf32>
    %get3A_6 = arith.constant 0 : index
    %get3A_7 = arith.constant 0 : index
    %get3A_8 = vector.load %arg3[%get3A_6, %get3A_7] : memref<1x16xf32, #tpu.memory_space<vmem>>, vector<1x16xf32>
    %add3A = vector.broadcast %get3A_8 : vector<1x16xf32> to vector<2048x16xf32>
    %add3A_9 = arith.addf %dot_general3A_5, %add3A : vector<2048x16xf32>
    %swap3A = arith.constant 0 : index
    %swap3A_10 = arith.constant 0 : index
    %swap3A_11 = vector.load %arg4[%swap3A, %swap3A_10] : memref<2048x16xf32, #tpu.memory_space<vmem>>, vector<2048x16xf32>
    tpu.vector_store %arg4[%swap3A, %swap3A_10], %add3A_9 {strides = array<i32>} : memref<2048x16xf32, #tpu.memory_space<vmem>>, vector<2048x16xf32>,
    return
  }
  func.func @transform_0(%arg0: i32) -> (i32, i32) {
    %c0_i32 = arith.constant 0 : i32
    %c0_i32_0 = arith.constant 0 : i32
    return %arg0, %c0_i32 : i32, i32
  }
  func.func @transform_1(%arg0: i32) -> (i32, i32) {
    %c0_i32 = arith.constant 0 : i32
    %c0_i32_0 = arith.constant 0 : i32
    %c0_i32_1 = arith.constant 0 : i32
    return %c0_i32, %c0_i32_0 : i32, i32
  }
  func.func @transform_2(%arg0: i32) -> (i32, i32) {
    %c0_i32 = arith.constant 0 : i32
    %c0_i32_0 = arith.constant 0 : i32
    %c0_i32_1 = arith.constant 0 : i32
    return %c0_i32, %c0_i32_0 : i32, i32
  }
  func.func @transform_3(%arg0: i32) -> (i32, i32) {
    %c0_i32 = arith.constant 0 : i32
    %c0_i32_0 = arith.constant 0 : i32
    return %arg0, %c0_i32 : i32, i32
  }
}

</mosaic_0001>

<sc_bundles>
// kernel: kernel.5.cloned.1.call-start
scs
__scs_entry_jumppad:
0x0: {  	(pc) =	sbr.rel $0x88, $3  }
0x1: {  	(tag) =	ssettag $0x0;
	lr =	simm.s32 $0x1  }
0x2: {  	[smem:$0x3F9C] =	sst lr;
	_ =	strace $0xD0000000  }
0x3: {  	_ = 	snop  }
0x4: {  	_ = 	snop  }
0x5: {  	_ = 	snop  }
0x6: {  	_ = 	snop  }
0x7: {  	_ = 	snop  }
__scs_overlays_trampoline_lowered:
0x8: {  	[smem:$0x3FAB] =	sst s0  }
0x9: {  	[smem:$0x3FAC] =	sst s1  }
0xa: {  	[smem:$0x3FAD] =	sst s2  }
0xb: {  	[smem:$0x3FAE] =	sst s3  }
0xc: {  	[smem:$0x3FAF] =	sst s4  }
0xd: {  	[smem:$0x3FB0] =	sst s5  }
0xe: {  	[smem:$0x3FB1] =	sst s6  }
0xf: {  	[smem:$0x3FB2] =	sst s7  }
0x10: {  	[smem:$0x3FB3] =	sst s8  }
0x11: {  	[smem:$0x3FB4] =	sst s9;
	s0 =	simm.s32 @!p0 $0x0  }
0x12: {  	s1 =	sld [smem:$0x3F9A];
	s0 =	simm.s32 @p0 $0x1  }
0x13: {  	[smem:$0x3FB5] =	sst s0;
	s0 =	simm.s32 @!p1 $0x0  }
0x14: {  	s2 =	sld [smem:$0x3F99];
	s0 =	simm.s32 @p1 $0x1  }
0x15: {  	[smem:$0x3FB6] =	sst s0;
	s0 =	simm.s32 @!p2 $0x0  }
0x16: {  	s3 =	sld [smem:$0x3FDB];
	s0 =	simm.s32 @p2 $0x1  }
0x17: {  	s4 =	simm.s32 $0x1BF5;
	[smem:$0x3FB8] =	sst s0  }
0x18: {  	s0 =	sld [smem:$0x3F9B];
	_ =	swait.ge [sflag:s4], $0x0  }
0x19: {  	s7 =	sld [smem:$0x3F9C]  }
0x1a: {  	s8 =	sadd.s32 $0xFFFFE003, lr  }
0x1b: {  	s9 =	sadd.s32 $0xFFFFFEF7, lr;
	s5 =	simm.s32 $0xFFFFFFFF;
	p2 =	slt.u32 s8, $0xFFFFF086  }
0x1c: {  	p1 =	slt.u32 s9, $0xF7A;
	s5 =	simm.s32 @!p2 $0x0  }
0x1d: {  	s5 =	simm.s32 @p1 $0x1;
	p0 =	seq.s32 s7, s2  }
0x1e: {  	s7 =	smul.u32 @!p0 $0xF7A, s2;
	p2 =	seq.s32 @!p0 s5, $0x0  }
0x1f: {  	s9 =	smul.u32 $0xF7A, s1;
	s8 =	simm.s32 @!p0 $0x1BF5;
	p2 =	por !p2, p0  }
0x20: {  	[sflag:s8] =	ssyncset.s32 @!p0 $0xFFFFF086;
	s6 =	sadd.s32 @!p0 s3, s7;
	s7 =	simm.s32 @!p0 $0x108  }
0x21: {  	s3 =	sadd.s32 s3, s9;
	s6 =	sadd.s32 @!p0 $0x88, s6;
	s7 =	simm.s32 @p2 $0x1082  }
0x22: {  	[simem:s7], [sflag:s8] =	dma.local @!p0 [hbm:s6], $0xF7A  }
0x23: {  	s9 =	sor.u32 $0xD0000000, s2;
	s6 =	simm.s32 $0x108;
	_ =	swait.ge @!p0 [sflag:s8], $0x0  }
0x24: {  	s3 =	sadd.s32 $0x88, s3;
	s6 =	simm.s32 @!p1 $0x1082;
	[sflag:s4] =	ssyncset.s32 $0xFFFFF086  }
0x25: {  	[simem:s6], [sflag:s4] =	dma.local [hbm:s3], $0xF7A  }
0x26: {  	[smem:$0x3F9C] =	sst s1;
	(tag) =	ssettag s2;
	_ =	strace s9  }
0x27: {  	s1 =	sld [smem:$0x3FAC]  }
0x28: {  	s2 =	sld [smem:$0x3FAD]  }
0x29: {  	s4 =	sld [smem:$0x3FAF]  }
0x2a: {  	p0 =	seq.s32 s5, $0x0;
	s5 =	sld [smem:$0x3FB0]  }
0x2b: {  	s6 =	sld [smem:$0x3FB1]  }
0x2c: {  	s7 =	sld [smem:$0x3FB2]  }
0x2d: {  	s3 =	simm.s32 $0x108;
	s8 =	sld [smem:$0x3FB3]  }
0x2e: {  	s3 =	simm.s32 @!p0 $0x1082;
	s9 =	sld [smem:$0x3FB4]  }
0x2f: {  	lr =	sadd.s32 s0, s3;
	s0 =	sld [smem:$0x3FAB]  }
0x30: {  	s3 =	sld [smem:$0x3FAE]  }
0x31: {  	[smem:$0x3FB7] =	sst s10  }
0x32: {  	s10 =	sld [smem:$0x3FB5];
	_ =	sdelay $0x3  }
0x33: {  	p0 =	seq.s32 s10, $0x1;
	s10 =	sld [smem:$0x3FB7];
	_ =	sdelay $0x3  }
0x34: {  	[smem:$0x3FB7] =	sst s10  }
0x35: {  	s10 =	sld [smem:$0x3FB6];
	_ =	sdelay $0x3  }
0x36: {  	p1 =	seq.s32 s10, $0x1;
	s10 =	sld [smem:$0x3FB7];
	_ =	sdelay $0x3  }
0x37: {  	[smem:$0x3FB7] =	sst s10  }
0x38: {  	s10 =	sld [smem:$0x3FB8]  }
0x39: {  	_ = 	snop;
	(pc) =	sbr.ind lr, $3  }
0x3a: {  	_ = 	snop  }
0x3b: {  	_ = 	snop  }
0x3c: {  	p2 =	seq.s32 s10, $0x1;
	s10 =	sld [smem:$0x3FB7]  }
0x3d: {  	_ =	shalt  }
0x3e: {  	_ =	shalt  }
0x3f: {  	_ =	shalt  }
0x40: {  	_ =	shalt  }
0x41: {  	_ =	shalt  }
0x42: {  	_ =	shalt  }
0x43: {  	_ =	shalt  }
0x44: {  	_ =	shalt  }
0x45: {  	_ =	shalt  }
0x46: {  	_ =	shalt  }
0x47: {  	_ =	shalt  }
0x48: {  	_ =	shalt  }
0x49: {  	_ =	shalt  }
0x4a: {  	_ =	shalt  }
0x4b: {  	_ =	shalt  }
0x4c: {  	_ =	shalt  }
0x4d: {  	_ =	shalt  }
0x4e: {  	_ =	shalt  }
0x4f: {  	_ =	shalt  }
0x50: {  	_ =	shalt  }
0x51: {  	_ =	shalt  }
0x52: {  	_ =	shalt  }
0x53: {  	_ =	shalt  }
0x54: {  	_ =	shalt  }
0x55: {  	_ =	shalt  }
0x56: {  	_ =	shalt  }
0x57: {  	_ =	shalt  }
0x58: {  	_ =	shalt  }
0x59: {  	_ =	shalt  }
0x5a: {  	_ =	shalt  }
0x5b: {  	_ =	shalt  }
0x5c: {  	_ =	shalt  }
0x5d: {  	_ =	shalt  }
0x5e: {  	_ =	shalt  }
0x5f: {  	_ =	shalt  }
0x60: {  	_ =	shalt  }
0x61: {  	_ =	shalt  }
0x62: {  	_ =	shalt  }
0x63: {  	_ =	shalt  }
0x64: {  	_ =	shalt  }
0x65: {  	_ =	shalt  }
0x66: {  	_ =	shalt  }
0x67: {  	_ =	shalt  }
0x68: {  	_ =	shalt  }
0x69: {  	_ =	shalt  }
0x6a: {  	_ =	shalt  }
0x6b: {  	_ =	shalt  }
0x6c: {  	_ =	shalt  }
0x6d: {  	_ =	shalt  }
0x6e: {  	_ =	shalt  }
0x6f: {  	_ =	shalt  }
0x70: {  	_ =	shalt  }
0x71: {  	_ =	shalt  }
0x72: {  	_ =	shalt  }
0x73: {  	_ =	shalt  }
0x74: {  	_ =	shalt  }
0x75: {  	_ =	shalt  }
0x76: {  	_ =	shalt  }
0x77: {  	_ =	shalt  }
0x78: {  	_ =	shalt  }
0x79: {  	_ =	shalt  }
0x7a: {  	_ =	shalt  }
0x7b: {  	_ =	shalt  }
0x7c: {  	_ =	shalt  }
0x7d: {  	_ =	shalt  }
0x7e: {  	_ =	shalt  }
0x7f: {  	_ =	shalt  }
0x80: {  	_ =	shalt  }
0x81: {  	_ =	shalt  }
0x82: {  	_ =	shalt  }
0x83: {  	_ =	shalt  }
0x84: {  	_ =	shalt  }
0x85: {  	_ =	shalt  }
0x86: {  	_ =	shalt  }
0x87: {  	_ =	shalt  }
.Lfunc_end0:
.L_simem_size_0:
called_computation_lowered:
.L_overlay_start_0:
0x88: {  	s2 =	sld [smem:$0x3FD9]  }
0x89: {  	s3 =	sld [smem:$0x3FFE];
	_ =	sdelay $0x1  }
0x8a: {  	s1 =	srdreg.scid  }
0x8b: {  	s0 =	sand.u32 $0x1, s1  }
0x8c: {  	s17 =	sshll.u32 s0, $0xA;
	s2 =	sadd.s32 s3, s2  }
0x8d: {  	s2 =	sadd.s32 s2, s17  }
0x8e: {  	[smem:$0x3FC3] =	sst s2  }
0x8f: {  	_ = 	snop  }
0x90: {  	s2 =	sld [smem:$0x3FD0];
	(tm) =	ssettm $0x1  }
0x91: {  	s18 =	sld [smem:$0x3FFB];
	_ =	sdelay $0x3  }
0x92: {  	_ =	strace s18  }
0x93: {  	s3 =	sld [smem:$0x3FFC];
	_ =	sdelay $0x3  }
0x94: {  	_ =	strace s3  }
0x95: {  	s3 =	sld [smem:$0x3FFD];
	_ =	sdelay $0x3  }
0x96: {  	_ =	strace s3  }
0x97: {  	_ =	strace $0x8FFFFFFF  }
0x98: {  	s19 =	sld [smem:$0x3FDB];
	_ =	sdelay $0x1  }
0x99: {  	s4 =	simm.s32 $_scs_section_size  }
0x9a: {  	s5 =	simm.s32 $_size__tile_overlayer_lowered;
	s6 =	simm.s32 $_tile_overlayer_lowered  }
0x9b: {  	s22 =	simm.s32 $0x1BFF;
	s21 =	sshll.u32 s6, $0x1;
	s3 =	sadd.s32 s4, s19  }
0x9c: {  	s7 =	simm.s32 $0x0;
	s20 =	sshll.u32 s5, $0x1;
	s5 =	sadd.s32 s21, s3  }
0x9d: {  	[timem:s7], [sflag:s22] =	dma.local [hbm:s5], s20  }
0x9e: {  	_ =	swait.ge [sflag:s22], s20  }
0x9f: {  	s4 =	ssub.s32 $0x0, s20;
	[sflag:s22] =	ssyncset.done $0x0  }
0xa0: {  	[sflag:s22] =	ssyncadd.s32 s4;
	_ =	sdelay $0x1  }
0xa1: {  	s23 =	simm.s32 $0x1B8B  }
0xa2: {  	_ =	swait.ge [sflag:s23], $0x1  }
0xa3: {  	[sflag:s23] =	ssyncset.done $0x0  }
0xa4: {  	s25 =	simm.s32 $0x1B8E;
	s24 =	sld [smem:$0x3FFE];
	[sflag:s23] =	ssyncadd.s32 $0xFFFFFFFF  }
0xa5: {  	s26 =	simm.s32 $execute0_lowered;
	[smem:$0x3FD2] =	sst s25  }
0xa6: {  	s5 =	sshll.u32 s26, $0x1;
	_ =	strace $0x80000046;
	[dreg:$0x1] =	wrdreg $0xFFFFFFFF  }
0xa7: {  	s28 =	simm.s32 $_size_execute0_lowered;
	s3 =	sadd.s32 s3, s5;
	[dreg:$0x0] =	wrdreg $0x0  }
0xa8: {  	s5 =	sshll.u32 s28, $0x1;
	[dreg:$0x2] =	wrdreg s3  }
0xa9: {  	[dreg:$0x3] =	wrdreg s5  }
0xaa: {  	[dreg:$0x4] =	wrdreg $0xC0  }
0xab: {  	_ =	task [dreg:s7], $0x5FFFF  }
0xac: {  	[dreg:$0x1] =	wrdreg $0xFFFFFFFF  }
0xad: {  	[dreg:$0x0] =	wrdreg $0x60  }
0xae: {  	[dreg:$0x2] =	wrdreg s2  }
0xaf: {  	[dreg:$0x3] =	wrdreg s24  }
0xb0: {  	[dreg:$0x4] =	wrdreg $0x0  }
0xb1: {  	[dreg:$0x5] =	wrdreg $0x9  }
0xb2: {  	_ =	task.clear_ibuf [dreg:s7], $0x6FFFF;
	_ =	strace $0x90000046  }
0xb3: {  	s29 =	simm.s32 $0x9;
	_ =	strace $0x80000048  }
0xb4: {  	_ =	swait.ge [sflag:s29], $0x1  }
0xb5: {  	[sflag:s29] =	ssyncadd.s32 $0xFFFFFFFF  }
0xb6: {  	_ =	strace $0x90000048  }
0xb7: {  	_ =	sfence  }
0xb8: {  	s30 =	sld [smem:$0x0];
	_ =	sdelay $0x2  }
0xb9: {  	s31 =	sshll.u32 s1, $0xD;
	s1 =	sshrl.u32 s1, $0x2  }
0xba: {  	s3 =	sand.u32 $0x4000, s31;
	s1 =	sadd.s32 s1, s30  }
0xbb: {  	s0 =	sor.u32 s3, s0;
	s1 =	sshll.u32 s1, $0x11  }
0xbc: {  	s0 =	sor.u32 s1, s0  }
0xbd: {  	s0 =	sadd.s32 $0x8F2B, s0  }
0xbe: {  	[sflag:s0] =	ssyncadd.remote.s32 $0x1  }
0xbf: {  	_ =	sfence.sel $0xFFFF  }
0xc0: {  	[dreg:$0x0] =	wrdreg $0xFFFFFFFF;
	(pc) =	sbr.abs _section_cstart, $3  }
0xc1: {  	[dreg:$0x1] =	wrdreg $0xFFFFFFFF  }
0xc2: {  	_ =	task.clear_ibuf [dreg:s7], $0x2FFFF;
	_ =	strace $0x9FFFFFFF  }
0xc3: {  	(tm) =	ssettm $0x7FFFFFFF  }
tec
execute0_lowered:
.L_overlay_start_1:
0x0: {  	(tag) =	ssettag $0x1  }
0x1: {  	s0 =	rddreg [dreg:$0x1];
	s1 =	srdreg.scid  }
0x2: {  	s13 =	stileid.u32;
	s2 =	rddreg [dreg:$0x2]  }
0x3: {  	s3 =	simm.s32 $0x0;
	s16 =	simm.s32 $0x18728;
	s17 =	simm.s32 $0x187A8  }
0x4: {  	s26 =	simm.s32 $0x10;
	s31 =	simm.s32 $0x1B0;
	s28 =	simm.s32 $0x2  }
0x5: {  	s29 =	simm.s32 $0x3;
	s1 =	sand.u32 $0x1, s1;
	s4 =	sshll.u32 s13, $0x1  }
0x6: {  	s30 =	simm.s32 $0x0;
	[smem:$0x7FF] =	sst s3;
	s6 =	sor.u32 s1, s4  }
0x7: {  	s5 =	sadd.s32 $0x1A00, s0;
	s0 =	sadd.s32 $0x56000, s0;
	s4 =	smul.u32 $0x15180, s6  }
0x8: {  	p0 =	sne.s32 s13, $0x0;
	_ =	strace $0x80000047;
	[dreg:$0x5] =	wrdreg s0  }
0x9: {  	[dreg:$0x7] =	wrdreg s26;
	s7 =	smul.u32 $0xC80, s6;
	s19 =	sshrl.u32 s4, $0x3  }
0xa: {  	s1 =	ssub.s32 $0x2, s1;
	[dreg:$0x6] =	wrdreg s31;
	s6 =	sadd.s32 s5, s19  }
0xb: {  	s14 =	sshrl.u32 @!p0 s2, $0x3;
	[dreg:$0x4] =	wrdreg s7;
	s21 =	sadd.s32 $0x10, s6  }
0xc: {  	s20 =	sshrl.u32 s1, $0x1;
	s22 =	sadd.s32 $0x20, s6;
	[dreg:$0x8] =	wrdreg s21  }
0xd: {  	s0 =	ssub.s32 s1, s20;
	s23 =	sadd.s32 $0x30, s6;
	[dreg:$0x9] =	wrdreg s22  }
0xe: {  	s13 =	smax.u32 s0, $0x1;
	s24 =	sadd.s32 $0x40, s6;
	[dreg:$0xa] =	wrdreg s23  }
0xf: {  	s25 =	sadd.s32 $0x50, s6;
	s12 =	sadd.s32 $0x60, s6;
	[dreg:$0xb] =	wrdreg s24  }
0x10: {  	[dreg:$0xc] =	wrdreg s25;
	s22 =	simm.s32 $0x1;
	s23 =	simm.s32 $0x80  }
.LBB2_1:
0x11: {  	s0 =	simm.s32 @!p0 $0x1C04;
	s1 =	rddreg [dreg:$0x0]  }
0x12: {  	[spmem:s14], [sflag:s0] =	dma.local @!p0 [hbm:s1], $0x30D50  }
0x13: {  	s0 =	simm.s32 @!p0 $0x4  }
0x14: {  	_ =	swait.ge @!p0 [sflag:s0], $0x30D50  }
0x15: {  	[sflag:s0] =	ssyncset.done @!p0 $0x0  }
0x16: {  	s25 =	simm.s32 $0x186A8;
	[sflag:s0] =	ssyncadd.s32 @!p0 $0xFFFCF2B0  }
0x17: {  	[tilespmem:s25], [sflag:$0x1] =	stream.linear.gather [hbm4b:s6+s3], $0x80, $0x38;
	[tilespmem:$0x1BAA8] =	vst v63  }
0x18: {  	s26 =	rddreg [dreg:$0x8]  }
0x19: {  	[tilespmem:s16], [sflag:$0x1] =	stream.linear.gather [hbm4b:s26+s3], $0x80, $0x38;
	[tilespmem:$0x1BAA8] =	vst v63  }
0x1a: {  	s10 =	simm.s32 $0x188A8;
	s7 =	rddreg [dreg:$0x9]  }
0x1b: {  	[tilespmem:s17], [sflag:$0x1] =	stream.linear.gather [hbm4b:s7+s3], $0x80, $0x38;
	[tilespmem:$0x1BAA8] =	vst v63  }
0x1c: {  	s15 =	simm.s32 $0x18928;
	s8 =	rddreg [dreg:$0xa];
	s7 =	simm.s32 $0x18828  }
0x1d: {  	[tilespmem:s7], [sflag:$0x1] =	stream.linear.gather [hbm4b:s8+s3], $0x80, $0x38;
	[tilespmem:$0x1BAA8] =	vst v63  }
0x1e: {  	s18 =	simm.s32 $0x189A8;
	s19 =	simm.s32 $0x18AA8;
	s9 =	rddreg [dreg:$0xb]  }
0x1f: {  	[tilespmem:s10], [sflag:$0x1] =	stream.linear.gather [hbm4b:s9+s3], $0x80, $0x38;
	[tilespmem:$0x1BAA8] =	vst v63  }
0x20: {  	s21 =	simm.s32 $0x0;
	p2 =	por $0x0, $0x0;
	s11 =	rddreg [dreg:$0xc]  }
0x21: {  	[tilespmem:s15], [sflag:$0x1] =	stream.linear.gather [hbm4b:s11+s3], $0x80, $0x38;
	[tilespmem:$0x1BAA8] =	vst v63  }
0x22: {  	s20 =	simm.s32 $0x192A8;
	s24 =	smul.u32 $0x47AF, s21;
	p1 =	por @!p2 $0x0, $0x0  }
0x23: {  	[tilespmem:s18], [sflag:$0x1] =	stream.linear.gather [hbm4b:s12+s3], $0x80, $0x38;
	[tilespmem:$0x1BAA8] =	vst v63  }
0x24: {  	p3 =	por @!p2 $0x1, $0x1;
	p1 =	por p1, p2;
	[bflag:$0x0] =	sbarrier.arrive $0xFFFF  }
0x25: {  	p3 =	por p3, p2;
	s1 =	sshrl.u32 s24, $0x10;
	_ =	swait.ge [sflag:s22], $0x80  }
0x26: {  	s0 =	smul.u32 $0xAAAB, s21;
	s18 =	ssub.s32 $0x0, s1;
	[sflag:s22] =	ssyncset.done $0x0  }
0x27: {  	s21 =	simm.s32 $0x380;
	s18 =	sand.u32 $0xFFFE, s18;
	[sflag:s22] =	ssyncadd.s32 $0xFFFFFF80  }
0x28: {  	[tilespmem:s19], [sflag:$0x2] =	stream.indirect.gather [spmem:s2], $0x10, s25, s23, $0xb8;
	[tilespmem:$0x1BAA8] =	vst v63  }
0x29: {  	s0 =	sshrl.u32 s0, $0x11;
	s18 =	sshrl.u32 s18, $0x1;
	_ =	swait.ge [sflag:s22], $0x80  }
0x2a: {  	s0 =	sand.u32 $0x6, s0;
	s1 =	sadd.s32 s1, s18;
	[sflag:s22] =	ssyncset.done $0x0  }
0x2b: {  	s0 =	sadd.s32 $0x0, s0;
	s18 =	sshrl.u32 s1, $0x4;
	[sflag:s22] =	ssyncadd.s32 $0xFFFFFF80  }
0x2c: {  	[tilespmem:s20], [sflag:$0x2] =	stream.indirect.gather [spmem:s2], $0x10, s16, s23, $0xb8;
	[tilespmem:$0x1BAA8] =	vst v63  }
0x2d: {  	s0 =	sshll.u32 s0, $0xB;
	s18 =	smul.u32 $0x19, s18;
	_ =	swait.ge [sflag:s22], $0x80  }
0x2e: {  	s0 =	sand.u32 $0x3800, s0;
	s25 =	simm.s32 $0x19AA8;
	[sflag:s22] =	ssyncset.done $0x0  }
0x2f: {  	s19 =	simm.s32 $0x7;
	s18 =	ssub.s32 $0x0, s18;
	[sflag:s22] =	ssyncadd.s32 $0xFFFFFF80  }
0x30: {  	[tilespmem:s25], [sflag:$0x2] =	stream.indirect.gather [spmem:s2], $0x10, s17, s23, $0xb8;
	[tilespmem:$0x1BAA8] =	vst v63  }
0x31: {  	s19 =	smul.u32 @!p1 $0x47AF, s19;
	s18 =	sshll.u32 s18, $0x7;
	_ =	swait.ge [sflag:s28], $0x800  }
0x32: {  	s0 =	sadd.s32 $0x18AA8, s0;
	s18 =	sand.u32 $0xFF80, s18;
	s20 =	rddreg [dreg:$0x4]  }
0x33: {  	s1 =	sand.u32 $0xFFF0, s1;
	s19 =	sshrl.u32 @!p1 s19, $0x10;
	s18 =	sadd.s32 s18, s20  }
0x34: {  	s31 =	rddreg [dreg:$0x5];
	s20 =	ssub.s32 @!p1 $0x7, s19;
	s18 =	smul.u32 $0x1B0, s18  }
0x35: {  	s26 =	rddreg [dreg:$0x7];
	[sflag:s28] =	ssyncset.done $0x0;
	s20 =	sand.u32 @!p1 $0xFFFE, s20  }
0x36: {  	[sflag:s28] =	ssyncadd.s32 $0xFFFFF800;
	s20 =	sshrl.u32 @!p1 s20, $0x1;
	s1 =	sadd.s32 s1, s18  }
0x37: {  	s19 =	sadd.s32 @!p1 s19, s20;
	s20 =	simm.s32 $0x3;
	s1 =	sshrl.u32 s1, $0x3  }
0x38: {  	s19 =	sand.u32 @!p1 $0xFFF0, s19;
	s1 =	sadd.s32 s31, s1;
	s31 =	rddreg [dreg:$0x6]  }
0x39: {  	[hbm4b:s1+s26] =	stream.strided.scatter [tilespmem:s0], [sflag:$0x3], $0x800, s31, s26, $0x38;
	[tilespmem:$0x1BAA8] =	vst v63  }
0x3a: {  	s18 =	simm.s32 @!p3 $0x3;
	s19 =	sshrl.u32 @!p1 s19, $0x4;
	s0 =	smul.u32 @!p2 $0xAAAB, s20  }
0x3b: {  	s31 =	simm.s32 $0x8;
	s20 =	smul.u32 @!p1 $0x19, s19;
	s1 =	simm.s32 $0x400  }
0x3c: {  	s19 =	smul.u32 @!p1 $0xC80, s19;
	_ =	swait.ge @!p3 [sflag:s18], $0x800;
	s24 =	sshrl.u32 @!p2 s0, $0x11  }
0x3d: {  	[sflag:s18] =	ssyncset.done @!p3 $0x0;
	s20 =	ssub.s32 @!p1 $0x7, s20;
	s0 =	simm.s32 @!p2 $0x1  }
0x3e: {  	[sflag:s18] =	ssyncadd.s32 @!p3 $0xFFFFF800;
	s18 =	sand.u32 @!p2 $0x6, s24;
	s20 =	sshll.u32 @!p1 s20, $0x7  }
0x3f: {  	s19 =	sadd.s32 @!p1 s4, s19;
	s18 =	sadd.s32 @!p2 $0x3, s18;
	s20 =	sand.u32 @!p1 $0xFF80, s20  }
0x40: {  	_ =	swait.ge @!p2 [sflag:s0], $0x80;
	s24 =	sadd.s32 @!p1 s20, s19;
	s18 =	sshll.u32 @!p2 s18, $0xB  }
0x41: {  	s20 =	simm.s32 @!p2 $0x180;
	s19 =	sand.u32 @!p1 $0x380, s21;
	s18 =	sand.u32 @!p2 $0x3800, s18  }
0x42: {  	s20 =	sand.u32 @!p2 $0x380, s20;
	s21 =	sadd.s32 @!p2 $0x18AA8, s18;
	s18 =	sshrl.u32 @!p1 s24, $0x3  }
.LBB2_2:
0x43: {  	s20 =	sadd.s32 @!p2 $0x186A8, s20;
	s24 =	sadd.s32 $0xFFFFFFF9, s31  }
0x44: {  	[sflag:s0] =	ssyncset.done @!p2 $0x0;
	s19 =	sadd.s32 @!p1 $0x186A8, s19;
	s9 =	smul.u32 $0xAAAB, s24  }
0x45: {  	[sflag:s0] =	ssyncadd.s32 @!p2 $0xFFFFFF80;
	s0 =	simm.s32 @!p2 $0x80;
	s25 =	smul.u32 $0x47AF, s24  }
0x46: {  	[tilespmem:s21], [sflag:$0x2] =	stream.indirect.gather @!p2 [spmem:s2], $0x10, s20, s0, $0xb8;
	[tilespmem:$0x1BAA8] =	vst v63  }
0x47: {  	s20 =	sadd.s32 @!p1 s5, s18;
	s21 =	simm.s32 @!p1 $0x0;
	s18 =	smov.u32 s31  }
0x48: {  	s31 =	sadd.s32 $0x1, s31;
	p2 =	sgt.u32 s24, $0x29F;
	s10 =	sshrl.u32 s25, $0x10  }
0x49: {  	s0 =	sshrl.u32 s9, $0x11;
	p3 =	sne.s32 s31, $0x2AA;
	s26 =	sadd.s32 $0xFFFFFFFC, s18  }
0x4a: {  	[tilespmem:s19], [sflag:$0x1] =	stream.linear.gather @!p1 [hbm4b:s20+s21], $0x80, $0x38;
	[tilespmem:$0x1BAA8] =	vst v63  }
0x4b: {  	p4 =	slt.u32 @!p2 s24, $0x3;
	s11 =	ssub.s32 s24, s10;
	s0 =	sand.u32 $0x6, s0  }
0x4c: {  	s21 =	smov.u32 s1;
	s1 =	sadd.s32 $0x80, s1;
	p1 =	sgt.u32 @!p2 s24, $0x29B  }
0x4d: {  	p4 =	por p4, p2;
	s20 =	sand.u32 $0xFFFE, s11;
	s0 =	sadd.s32 s0, s24  }
0x4e: {  	_ =	swait.ge [sflag:s28], $0x800;
	p1 =	por p1, p2;
	s20 =	sshrl.u32 s20, $0x1  }
0x4f: {  	s0 =	sshll.u32 s0, $0xB;
	s8 =	rddreg [dreg:$0x5];
	s25 =	sadd.s32 s10, s20  }
0x50: {  	s9 =	smul.u32 @!p1 $0x47AF, s18;
	[sflag:s28] =	ssyncset.done $0x0;
	s19 =	sshrl.u32 s25, $0x4  }
0x51: {  	s15 =	sand.u32 $0x3800, s0;
	s0 =	simm.s32 @!p2 $0x1;
	s7 =	smul.u32 $0x19, s19  }
0x52: {  	s10 =	smul.u32 @!p2 $0xAAAB, s26;
	s20 =	sadd.s32 @!p2 $0xFFFFFE00, s21;
	[sflag:s28] =	ssyncadd.s32 $0xFFFFF800  }
0x53: {  	s11 =	sadd.s32 $0x18AA8, s15;
	s9 =	sshrl.u32 @!p1 s9, $0x10;
	s7 =	ssub.s32 s24, s7  }
0x54: {  	s19 =	sand.u32 @!p1 $0x380, s21;
	s21 =	ssub.s32 @!p1 s18, s9;
	s7 =	sshll.u32 s7, $0x7  }
0x55: {  	s21 =	sand.u32 @!p1 $0xFFFE, s21;
	s24 =	rddreg [dreg:$0x4];
	s7 =	sand.u32 $0xFF80, s7  }
0x56: {  	s20 =	sand.u32 @!p2 $0x380, s20;
	s21 =	sshrl.u32 @!p1 s21, $0x1;
	s7 =	sadd.s32 s7, s24  }
0x57: {  	s15 =	rddreg [dreg:$0x7];
	s9 =	sadd.s32 @!p1 s9, s21;
	s7 =	smul.u32 $0x1B0, s7  }
0x58: {  	s10 =	sshrl.u32 @!p2 s10, $0x11;
	s21 =	sand.u32 $0xFFF0, s25;
	s9 =	sand.u32 @!p1 $0xFFF0, s9  }
0x59: {  	s10 =	sand.u32 @!p2 $0x6, s10;
	s9 =	sshrl.u32 @!p1 s9, $0x4;
	s7 =	sadd.s32 s21, s7  }
0x5a: {  	s25 =	simm.s32 @!p4 $0x3;
	s21 =	smul.u32 @!p1 $0x19, s9;
	s7 =	sshrl.u32 s7, $0x3  }
0x5b: {  	s24 =	rddreg [dreg:$0x6];
	s9 =	smul.u32 @!p1 $0xC80, s9;
	s7 =	sadd.s32 s8, s7  }
0x5c: {  	[hbm4b:s7+s15] =	stream.strided.scatter [tilespmem:s11], [sflag:$0x3], $0x800, s24, s15, $0x38;
	[tilespmem:$0x1BAA8] =	vst v63  }
.Ltmp0:
0x5d: {  	s8 =	sadd.s32 @!p2 s10, s26;
	s10 =	ssub.s32 @!p1 s18, s21;
	(pc) =	sbr.rel @p3 .LBB2_2-.Ltmp0, $4  }
0x5e: {  	s7 =	sadd.s32 @!p1 s4, s9;
	s9 =	sshll.u32 @!p1 s10, $0x7;
	_ =	swait.ge @!p4 [sflag:s25], $0x800  }
0x5f: {  	s8 =	sshll.u32 @!p2 s8, $0xB;
	s9 =	sand.u32 @!p1 $0xFF80, s9;
	[sflag:s25] =	ssyncset.done @!p4 $0x0  }
0x60: {  	s8 =	sand.u32 @!p2 $0x3800, s8;
	s7 =	sadd.s32 @!p1 s9, s7;
	[sflag:s25] =	ssyncadd.s32 @!p4 $0xFFFFF800  }
0x61: {  	s21 =	sadd.s32 @!p2 $0x18AA8, s8;
	s18 =	sshrl.u32 @!p1 s7, $0x3;
	_ =	swait.ge @!p2 [sflag:s0], $0x80  }
0x62: {  	[sflag:s0] =	ssyncset.done @!p2 $0x0  }
0x63: {  	s1 =	sadd.s32 @!p2 $0x186A8, s20;
	[sflag:s0] =	ssyncadd.s32 @!p2 $0xFFFFFF80;
	s0 =	simm.s32 @!p2 $0x80  }
0x64: {  	[tilespmem:s21], [sflag:$0x2] =	stream.indirect.gather @!p2 [spmem:s2], $0x10, s1, s0, $0xb8;
	[tilespmem:$0x1BAA8] =	vst v63  }
0x65: {  	s7 =	simm.s32 @!p1 $0x0;
	s0 =	sadd.s32 @!p1 $0x186A8, s19;
	s1 =	sadd.s32 @!p1 s5, s18  }
0x66: {  	[tilespmem:s0], [sflag:$0x1] =	stream.linear.gather @!p1 [hbm4b:s1+s7], $0x80, $0x38;
	[tilespmem:$0x1BAA8] =	vst v63  }
0x67: {  	_ =	swait.ge [sflag:s29], $0x800  }
0x68: {  	[sflag:s29] =	ssyncset.done $0x0  }
0x69: {  	[sflag:s29] =	ssyncadd.s32 $0xFFFFF800  }
0x6a: {  	_ =	swait.ge [sflag:s29], $0x800  }
0x6b: {  	[sflag:s29] =	ssyncset.done $0x0  }
0x6c: {  	[sflag:s29] =	ssyncadd.s32 $0xFFFFF800  }
0x6d: {  	_ =	swait.ge [sflag:s29], $0x800  }
0x6e: {  	[sflag:s29] =	ssyncset.done $0x0  }
0x6f: {  	[sflag:s29] =	ssyncadd.s32 $0xFFFFF800  }
0x70: {  	_ =	swait.ge [sflag:s29], $0x800  }
0x71: {  	[sflag:s29] =	ssyncset.done $0x0  }
0x72: {  	s30 =	sadd.s32 $0x1, s30;
	[sflag:s29] =	ssyncadd.s32 $0xFFFFF800  }
0x73: {  	p1 =	sne.s32 s30, s13;
	_ =	swait.ge [sflag:s29], $0x800  }
.Ltmp1:
0x74: {  	[sflag:s29] =	ssyncset.done $0x0;
	(pc) =	sbr.rel @p1 .LBB2_1-.Ltmp1, $4  }
0x75: {  	[sflag:s29] =	ssyncadd.s32 $0xFFFFF800  }
0x76: {  	_ =	swait.ge [sflag:s29], $0x800  }
0x77: {  	[sflag:s29] =	ssyncset.done $0x0  }
0x78: {  	[sflag:s29] =	ssyncadd.s32 $0xFFFFF800  }
0x79: {  	_ =	sfence.sel $0x180000  }
0x7a: {  	[bflag:$0x0] =	sbarrier.arrive $0xFFFF  }
0x7b: {  	_ =	strace $0x90000047  }
0x7c: {  	[bflag:$0x2] =	sbarrier.arrive $0xFFFF  }
0x7d: {  	s0 =	rddreg [dreg:$0x3]  }
0x7e: {  	s0 =	sadd.s32 @!p0 $0x100000, s0  }
0x7f: {  	[sflag:s0] =	ssyncadd.tile.s32 @!p0 $0x1;
	_ =	shalt  }
.Lfunc_end2:
_tile_overlayer_lowered:
.L_overlay_start_2:
0x80: {  	(tag) =	ssettag $0x2  }
0x81: {  	s0 =	rddreg [dreg:$0x0];
	s2 =	stileid.u32  }
0x82: {  	s1 =	rddreg [dreg:$0x1];
	p0 =	sne.s32 s2, $0x0  }
0x83: {  	s3 =	rddreg [dreg:$0x2];
	[bflag:$0x3] =	sbarrier.arrive $0xFFFF;
	s2 =	simm.s32 @!p0 $0x1C04  }
0x84: {  	[timem:s3], [sflag:s2] =	dma.local @!p0 [hbm:s0], s1  }
0x85: {  	s0 =	simm.s32 @!p0 $0x4  }
0x86: {  	_ =	swait.ge @!p0 [sflag:s0], s1  }
0x87: {  	s1 =	ssub.s32 @!p0 $0x0, s1;
	[sflag:s0] =	ssyncset.done @!p0 $0x0  }
0x88: {  	[sflag:s0] =	ssyncadd.s32 @!p0 s1  }
0x89: {  	[bflag:$0x3] =	sbarrier.arrive $0xFFFF  }
0x8a: {  	_ =	shalt  }

</sc_bundles>
